<compile_context>
chip_gen: v7x
topology: tpu7x:2x2x1
jax: 0.10.2.dev20260603
libtpu: 0.0.44.dev20260713+nightly
codegen_flags: <defaults>
</compile_context>

<pallas_src>
import functools

import jax
import jax.numpy as jnp
from jax import lax
from jax.experimental import pallas as pl
from jax.experimental.pallas import tpu as pltpu
from jax.experimental.pallas import tpu_sc as plsc

HIDDEN = 2048
HEAD_DIM = 128
ROTARY_DIM = HEAD_DIM
BASE = 10000.0

NUM_CORES = 2
NUM_SUBCORES = 16
NUM_WORKERS = NUM_CORES * NUM_SUBCORES

CHUNK = 8
NBUF = 4


def _gather_body(n_per_worker, num_chunks, ids_hbm, table_hbm, out_hbm,
                 idx_v, rows, gsem, osem):
    wid = lax.axis_index("s") * NUM_CORES + lax.axis_index("c")
    base = wid * n_per_worker
    per_row = n_per_worker * NUM_WORKERS // ids_hbm.shape[0]
    r = base // per_row
    c = base % per_row
    pltpu.sync_copy(ids_hbm.at[r, pl.ds(c, n_per_worker)], idx_v)

    def start(k, buf):
        pltpu.async_copy(table_hbm.at[idx_v.at[pl.ds(k * CHUNK, CHUNK)]],
                         rows[buf], gsem[buf])

    def wait_g(k, buf):
        pltpu.make_async_copy(table_hbm.at[idx_v.at[pl.ds(k * CHUNK, CHUNK)]],
                              rows[buf], gsem[buf]).wait()

    def start_out(k, buf):
        pltpu.async_copy(rows[buf], out_hbm.at[pl.ds(base + k * CHUNK, CHUNK)],
                         osem[buf])

    def wait_out(k, buf):
        pltpu.make_async_copy(rows[buf],
                              out_hbm.at[pl.ds(base + k * CHUNK, CHUNK)],
                              osem[buf]).wait()

    for b in range(NBUF - 1):
        start(b, b)
    wait_g(0, 0)
    start_out(0, 0)
    start(NBUF - 1, NBUF - 1)

    def group(g, _):
        k0 = 1 + g * NBUF
        for b in range(NBUF):
            k = k0 + b
            buf = (1 + b) % NBUF

            @pl.when(k < num_chunks)
            def _():
                wait_g(k, buf)
                start_out(k, buf)
                nxt = k + NBUF - 1

                @pl.when(nxt < num_chunks)
                def _():
                    wait_out(k - 1, (buf + NBUF - 1) % NBUF)
                    start(nxt, (buf + NBUF - 1) % NBUF)
        return ()

    ngroups = (num_chunks - 1 + NBUF - 1) // NBUF
    lax.fori_loop(0, ngroups, group, (), unroll=False)

    for k in range(num_chunks - NBUF, num_chunks):
        wait_out(k, k % NBUF)


def _sc_gather(ids, table):
    n = ids.shape[0] * ids.shape[1]
    n_per_worker = n // NUM_WORKERS
    num_chunks = n_per_worker // CHUNK
    mesh = plsc.VectorSubcoreMesh(core_axis_name="c", subcore_axis_name="s",
                                  num_cores=NUM_CORES,
                                  num_subcores=NUM_SUBCORES)
    body = functools.partial(_gather_body, n_per_worker, num_chunks)
    return pl.kernel(
        body,
        out_type=jax.ShapeDtypeStruct((n, HIDDEN), table.dtype),
        mesh=mesh,
        scratch_types=[
            pltpu.VMEM((n_per_worker,), jnp.int32),
            [pltpu.VMEM((CHUNK, HIDDEN), jnp.float32)] * NBUF,
            [pltpu.SemaphoreType.DMA] * NBUF,
            [pltpu.SemaphoreType.DMA] * NBUF,
        ],
    )(ids, table)


TBLOCK = 512


def _rope_body(invf_ref, cos_ref, sin_ref, pid_ref):
    t0 = pl.program_id(1) * TBLOCK
    t_idx = t0 + lax.broadcasted_iota(jnp.int32, (1, TBLOCK, ROTARY_DIM), 1)
    pos = t_idx.astype(jnp.float32)
    ang = pos * invf_ref[...][None, :, :]
    cos_ref[...] = jnp.cos(ang)
    sin_ref[...] = jnp.sin(ang)
    pid_ref[...] = lax.broadcasted_iota(jnp.int32, pid_ref.shape, 1)


def _tc_rope(b, t, dtype):
    inv_freq = 1.0 / (BASE ** (jnp.arange(0, ROTARY_DIM, 2,
                                          dtype=jnp.float32) / ROTARY_DIM))
    invf = jnp.concatenate([inv_freq, inv_freq])[None, :]
    grid = (b, t // TBLOCK)
    return pl.pallas_call(
        _rope_body,
        grid=grid,
        in_specs=[pl.BlockSpec((1, ROTARY_DIM), lambda i, j: (0, 0))],
        out_specs=[
            pl.BlockSpec((1, TBLOCK, ROTARY_DIM), lambda i, j: (i, j, 0)),
            pl.BlockSpec((1, TBLOCK, ROTARY_DIM), lambda i, j: (i, j, 0)),
            pl.BlockSpec((b, t), lambda i, j: (0, 0)),
        ],
        out_shape=[
            jax.ShapeDtypeStruct((b, t, ROTARY_DIM), dtype),
            jax.ShapeDtypeStruct((b, t, ROTARY_DIM), dtype),
            jax.ShapeDtypeStruct((b, t), jnp.int32),
        ],
    )(invf)


def kernel(input_ids, attention_mask, table):
    b, t = input_ids.shape
    hidden = _sc_gather(input_ids, table).reshape(b, t, HIDDEN)
    cos, sin, position_ids = _tc_rope(b, t, table.dtype)
    return (hidden, attention_mask, position_ids, cos, sin)

# --- scband reference (transcript-rebuilt; emitter-appended) ---
"""Pipeline reference for scband-embed-pipe-8521215115754 (READ-ONLY COPY).

The authoritative reference and input builder live on the scoring server;
editing this copy changes nothing except your own understanding.
"""

import jax, jax.numpy as jnp
import numpy as np

VOCAB = 100000
HIDDEN = 2048
N_HEADS = 16
HEAD_DIM = HIDDEN // N_HEADS  # 128
ROTARY_DIM = HEAD_DIM         # partial_rotary_factor = 1.0, already even
BASE = 10000.0
B, T = 4, 4096


def setup_inputs(seed: int = 0) -> dict:
    key = jax.random.key(seed)
    k1, k2 = jax.random.split(key)
    input_ids = jax.random.randint(k1, (B, T), 0, VOCAB, dtype=jnp.int32)
    attention_mask = jnp.ones((B, T), dtype=jnp.int32)
    # learned parameter: embedding table (nn.Embedding weight)
    table = jax.random.normal(k2, (VOCAB, HIDDEN), dtype=jnp.float32) * 0.02
    return {"input_ids": input_ids, "attention_mask": attention_mask, "table": table}


def reference(input_ids, attention_mask, table):
    # hidden = self.embed_tokens(input_ids)
    hidden = jnp.take(table, input_ids, axis=0)
    b, t = input_ids.shape
    # position_ids = arange(t).unsqueeze(0).expand(b, t)
    position_ids = jnp.broadcast_to(jnp.arange(t, dtype=jnp.int32)[None, :], (b, t))
    # build_rope_cos_sin
    pos = position_ids.astype(jnp.float32)
    inv_freq = 1.0 / (BASE ** (jnp.arange(0, ROTARY_DIM, 2, dtype=jnp.float32) / ROTARY_DIM))
    freqs = jnp.einsum('bt,d->btd', pos, inv_freq)
    emb = jnp.concatenate([freqs, freqs], axis=-1)
    cos = jnp.cos(emb).astype(hidden.dtype)
    sin = jnp.sin(emb).astype(hidden.dtype)
    return (hidden, attention_mask, position_ids, cos, sin)

if __name__ == "__main__":
    import jax
    _d = setup_inputs()
    print(jax.jit(kernel)(*tuple(_d.values())))

</pallas_src>

<mosaic_0001>
#map = affine_map<(d0, d1) -> (0, 0)>
module attributes {stable_mosaic.version = 14 : i64} {
  func.func @_gather_body(%arg0: i32, %arg1: i32, %arg2: memref<4x4096xi32, #tpu.memory_space<hbm>>, %arg3: memref<100000x2048xf32, #tpu.memory_space<hbm>>, %arg4: memref<16384x2048xf32, #tpu.memory_space<hbm>>, %arg5: memref<512xi32, #tpu.memory_space<vmem>>, %arg6: memref<8x2048xf32, #tpu.memory_space<vmem>>, %arg7: memref<8x2048xf32, #tpu.memory_space<vmem>>, %arg8: memref<8x2048xf32, #tpu.memory_space<vmem>>, %arg9: memref<8x2048xf32, #tpu.memory_space<vmem>>, %arg10: memref<!tpu.dma_semaphore, #tpu.memory_space<semaphore_mem>>, %arg11: memref<!tpu.dma_semaphore, #tpu.memory_space<semaphore_mem>>, %arg12: memref<!tpu.dma_semaphore, #tpu.memory_space<semaphore_mem>>, %arg13: memref<!tpu.dma_semaphore, #tpu.memory_space<semaphore_mem>>, %arg14: memref<!tpu.dma_semaphore, #tpu.memory_space<semaphore_mem>>, %arg15: memref<!tpu.dma_semaphore, #tpu.memory_space<semaphore_mem>>, %arg16: memref<!tpu.dma_semaphore, #tpu.memory_space<semaphore_mem>>, %arg17: memref<!tpu.dma_semaphore, #tpu.memory_space<semaphore_mem>>) attributes {dimension_semantics = [#tpu.dimension_semantics<core_parallel>, #tpu.dimension_semantics<subcore_parallel>], iteration_bounds = array<i64: 2, 16>, scalar_prefetch = 0 : i64, scratch_operands = 13 : i64, tpu.core_type = #tpu.core_type<sc_vector_subcore>, window_params = [{transform_indices = #map}, {transform_indices = #map}, {transform_indices = #map}]} {
    %mul3A = arith.constant 2 : i32
    %mul3A_0 = arith.muli %arg1, %mul3A : i32
    %add3A = arith.addi %mul3A_0, %arg0 : i32
    %mul3A_1 = arith.constant 512 : i32
    %mul3A_2 = arith.muli %add3A, %mul3A_1 : i32
    %jit3A = arith.constant 4096 : i32
    %div3A = arith.divsi %mul3A_2, %jit3A : i32
    %sign3A = arith.constant 0 : i32
    %sign3A_3 = arith.cmpi sgt, %mul3A_2, %sign3A : i32
    %sign3A_4 = arith.extui %sign3A_3 : i1 to i32
    %sign3A_5 = arith.constant 0 : i32
    %sign3A_6 = arith.cmpi slt, %mul3A_2, %sign3A_5 : i32
    %sign3A_7 = arith.extui %sign3A_6 : i1 to i32
    %sign3A_8 = arith.subi %sign3A_4, %sign3A_7 : i32
    %sign3A_9 = arith.constant 0 : i32
    %sign3A_10 = arith.cmpi sgt, %jit3A, %sign3A_9 : i32
    %sign3A_11 = arith.extui %sign3A_10 : i1 to i32
    %sign3A_12 = arith.constant 0 : i32
    %sign3A_13 = arith.cmpi slt, %jit3A, %sign3A_12 : i32
    %sign3A_14 = arith.extui %sign3A_13 : i1 to i32
    %sign3A_15 = arith.subi %sign3A_11, %sign3A_14 : i32
    %ne3A = arith.cmpi ne, %sign3A_8, %sign3A_15 : i32
    %rem3A = arith.remsi %mul3A_2, %jit3A : i32
    %ne3A_16 = arith.constant 0 : i32
    %ne3A_17 = arith.cmpi ne, %rem3A, %ne3A_16 : i32
    %and3A = arith.andi %ne3A, %ne3A_17 : i1
    %sub3A = arith.constant 1 : i32
    %sub3A_18 = arith.subi %div3A, %sub3A : i32
    %select_n3A = arith.select %and3A, %sub3A_18, %div3A : i32
    %jit3A_19 = arith.constant 4096 : i32
    %eq3A = arith.constant 0 : i32
    %eq3A_20 = arith.cmpi eq, %jit3A_19, %eq3A : i32
    %jit3A_21 = arith.constant 1 : i32
    %select_n3A_22 = arith.select %eq3A_20, %jit3A_21, %jit3A_19 : i32
    %rem3A_23 = arith.remsi %mul3A_2, %select_n3A_22 : i32
    %ne3A_24 = arith.constant 0 : i32
    %ne3A_25 = arith.cmpi ne, %rem3A_23, %ne3A_24 : i32
    %lt3A = arith.constant 0 : i32
    %lt3A_26 = arith.cmpi slt, %rem3A_23, %lt3A : i32
    %lt3A_27 = arith.constant 0 : i32
    %lt3A_28 = arith.cmpi slt, %select_n3A_22, %lt3A_27 : i32
    %ne3A_29 = arith.xori %lt3A_26, %lt3A_28 : i1
    %and3A_30 = arith.andi %ne3A_29, %ne3A_25 : i1
    %add3A_31 = arith.addi %rem3A_23, %select_n3A_22 : i32
    %select_n3A_32 = arith.select %and3A_30, %add3A_31, %rem3A_23 : i32
    "tpu.region"() ({
      %run_scoped3A = tpu.sem_alloc : memref<!tpu.dma_semaphore, #tpu.memory_space<semaphore_mem>>
      %dma_start3A_90 = tpu.memref_slice %arg2[%select_n3A, %select_n3A_32] : memref<4x4096xi32, #tpu.memory_space<hbm>> -> memref<1x512xi32, #tpu.memory_space<hbm>>
      %dma_start3A_91 = tpu.memref_squeeze %dma_start3A_90 : memref<1x512xi32, #tpu.memory_space<hbm>> -> memref<512xi32, #tpu.memory_space<hbm>>
      %dma_start3A_92 = tpu.memref_slice %arg2[%select_n3A, %select_n3A_32] : memref<4x4096xi32, #tpu.memory_space<hbm>> -> memref<1x512xi32, #tpu.memory_space<hbm>>
      %dma_start3A_93 = tpu.memref_squeeze %dma_start3A_92 : memref<1x512xi32, #tpu.memory_space<hbm>> -> memref<512xi32, #tpu.memory_space<hbm>>
      tpu.enqueue_dma source(%dma_start3A_93 : memref<512xi32, #tpu.memory_space<hbm>>) target(%arg5 : memref<512xi32, #tpu.memory_space<vmem>>) target_semaphore(%run_scoped3A : memref<!tpu.dma_semaphore, #tpu.memory_space<semaphore_mem>>)
      %dma_wait3A_94 = tpu.memref_slice %arg2[%select_n3A, %select_n3A_32] : memref<4x4096xi32, #tpu.memory_space<hbm>> -> memref<1x512xi32, #tpu.memory_space<hbm>>
      %dma_wait3A_95 = tpu.memref_squeeze %dma_wait3A_94 : memref<1x512xi32, #tpu.memory_space<hbm>> -> memref<512xi32, #tpu.memory_space<hbm>>
      %dma_wait3A_96 = tpu.memref_slice %arg2[%select_n3A, %select_n3A_32] : memref<4x4096xi32, #tpu.memory_space<hbm>> -> memref<1x512xi32, #tpu.memory_space<hbm>>
      %dma_wait3A_97 = tpu.memref_squeeze %dma_wait3A_96 : memref<1x512xi32, #tpu.memory_space<hbm>> -> memref<512xi32, #tpu.memory_space<hbm>>
      tpu.wait_dma2 semaphore(%run_scoped3A : memref<!tpu.dma_semaphore, #tpu.memory_space<semaphore_mem>>) src(%dma_wait3A_97 : memref<512xi32, #tpu.memory_space<hbm>>) dst(%arg5 : memref<512xi32, #tpu.memory_space<vmem>>)
      tpu.yield
    }) : () -> ()
    %dma_start3A = arith.constant 0 : i32
    %dma_start3A_33 = tpu.memref_slice %arg5[%dma_start3A] : memref<512xi32, #tpu.memory_space<vmem>> -> memref<8xi32, #tpu.memory_space<vmem>>
    %dma_start3A_34 = arith.constant 0 : i32
    %dma_start3A_35 = arith.constant 0 : i32
    %dma_start3A_36 = tpu.memref_slice %arg3[%dma_start3A_34, %dma_start3A_35] : memref<100000x2048xf32, #tpu.memory_space<hbm>> -> memref<100000x2048xf32, #tpu.memory_space<hbm>>
    tpu.enqueue_indirect_dma source(%dma_start3A_36 : memref<100000x2048xf32, #tpu.memory_space<hbm>>) target(%arg6 : memref<8x2048xf32, #tpu.memory_space<vmem>>) offsets(%dma_start3A_33 : memref<8xi32, #tpu.memory_space<vmem>>) semaphore(%arg10 : memref<!tpu.dma_semaphore, #tpu.memory_space<semaphore_mem>>)
    %dma_start3A_37 = arith.constant 8 : i32
    %dma_start3A_38 = tpu.memref_slice %arg5[%dma_start3A_37] : memref<512xi32, #tpu.memory_space<vmem>> -> memref<8xi32, #tpu.memory_space<vmem>>
    %dma_start3A_39 = arith.constant 0 : i32
    %dma_start3A_40 = arith.constant 0 : i32
    %dma_start3A_41 = tpu.memref_slice %arg3[%dma_start3A_39, %dma_start3A_40] : memref<100000x2048xf32, #tpu.memory_space<hbm>> -> memref<100000x2048xf32, #tpu.memory_space<hbm>>
    tpu.enqueue_indirect_dma source(%dma_start3A_41 : memref<100000x2048xf32, #tpu.memory_space<hbm>>) target(%arg7 : memref<8x2048xf32, #tpu.memory_space<vmem>>) offsets(%dma_start3A_38 : memref<8xi32, #tpu.memory_space<vmem>>) semaphore(%arg11 : memref<!tpu.dma_semaphore, #tpu.memory_space<semaphore_mem>>)
    %dma_start3A_42 = arith.constant 16 : i32
    %dma_start3A_43 = tpu.memref_slice %arg5[%dma_start3A_42] : memref<512xi32, #tpu.memory_space<vmem>> -> memref<8xi32, #tpu.memory_space<vmem>>
    %dma_start3A_44 = arith.constant 0 : i32
    %dma_start3A_45 = arith.constant 0 : i32
    %dma_start3A_46 = tpu.memref_slice %arg3[%dma_start3A_44, %dma_start3A_45] : memref<100000x2048xf32, #tpu.memory_space<hbm>> -> memref<100000x2048xf32, #tpu.memory_space<hbm>>
    tpu.enqueue_indirect_dma source(%dma_start3A_46 : memref<100000x2048xf32, #tpu.memory_space<hbm>>) target(%arg8 : memref<8x2048xf32, #tpu.memory_space<vmem>>) offsets(%dma_start3A_43 : memref<8xi32, #tpu.memory_space<vmem>>) semaphore(%arg12 : memref<!tpu.dma_semaphore, #tpu.memory_space<semaphore_mem>>)
    %dma_wait3A = arith.constant 0 : i32
    %dma_wait3A_47 = tpu.memref_slice %arg5[%dma_wait3A] : memref<512xi32, #tpu.memory_space<vmem>> -> memref<8xi32, #tpu.memory_space<vmem>>
    %dma_wait3A_48 = arith.constant 0 : i32
    %dma_wait3A_49 = arith.constant 0 : i32
    %dma_wait3A_50 = tpu.memref_slice %arg3[%dma_wait3A_48, %dma_wait3A_49] : memref<100000x2048xf32, #tpu.memory_space<hbm>> -> memref<100000x2048xf32, #tpu.memory_space<hbm>>
    tpu.wait_indirect_dma semaphore(%arg10 : memref<!tpu.dma_semaphore, #tpu.memory_space<semaphore_mem>>) src(%dma_wait3A_50 : memref<100000x2048xf32, #tpu.memory_space<hbm>>) dst(%arg6 : memref<8x2048xf32, #tpu.memory_space<vmem>>)
    %add3A_51 = arith.constant 0 : i32
    %add3A_52 = arith.addi %mul3A_2, %add3A_51 : i32
    %dma_start3A_53 = arith.constant 0 : i32
    %dma_start3A_54 = tpu.memref_slice %arg4[%add3A_52, %dma_start3A_53] : memref<16384x2048xf32, #tpu.memory_space<hbm>> -> memref<8x2048xf32, #tpu.memory_space<hbm>>
    %dma_start3A_55 = arith.constant 0 : i32
    %dma_start3A_56 = tpu.memref_slice %arg4[%add3A_52, %dma_start3A_55] : memref<16384x2048xf32, #tpu.memory_space<hbm>> -> memref<8x2048xf32, #tpu.memory_space<hbm>>
    tpu.enqueue_dma source(%arg6 : memref<8x2048xf32, #tpu.memory_space<vmem>>) target(%dma_start3A_56 : memref<8x2048xf32, #tpu.memory_space<hbm>>) target_semaphore(%arg14 : memref<!tpu.dma_semaphore, #tpu.memory_space<semaphore_mem>>)
    %dma_start3A_57 = arith.constant 24 : i32
    %dma_start3A_58 = tpu.memref_slice %arg5[%dma_start3A_57] : memref<512xi32, #tpu.memory_space<vmem>> -> memref<8xi32, #tpu.memory_space<vmem>>
    %dma_start3A_59 = arith.constant 0 : i32
    %dma_start3A_60 = arith.constant 0 : i32
    %dma_start3A_61 = tpu.memref_slice %arg3[%dma_start3A_59, %dma_start3A_60] : memref<100000x2048xf32, #tpu.memory_space<hbm>> -> memref<100000x2048xf32, #tpu.memory_space<hbm>>
    tpu.enqueue_indirect_dma source(%dma_start3A_61 : memref<100000x2048xf32, #tpu.memory_space<hbm>>) target(%arg9 : memref<8x2048xf32, #tpu.memory_space<vmem>>) offsets(%dma_start3A_58 : memref<8xi32, #tpu.memory_space<vmem>>) semaphore(%arg13 : memref<!tpu.dma_semaphore, #tpu.memory_space<semaphore_mem>>)
    %scan3A = arith.constant 0 : i32
    %scan3A_62 = arith.constant 16 : i32
    %scan3A_63 = arith.addi %scan3A, %scan3A_62 : i32
    %scan3A_64 = arith.constant 1 : i32
    scf.for %scan3A_90 = %scan3A to %scan3A_63 step %scan3A_64  : i32 {
      %mul3A_91 = arith.constant 4 : i32
      %mul3A_92 = arith.muli %scan3A_90, %mul3A_91 : i32
      %add3A_93 = arith.constant 1 : i32
      %add3A_94 = arith.addi %add3A_93, %mul3A_92 : i32
      %add3A_95 = arith.constant 0 : i32
      %add3A_96 = arith.addi %add3A_94, %add3A_95 : i32
      %lt3A_97 = arith.constant 64 : i32
      %lt3A_98 = arith.cmpi slt, %add3A_96, %lt3A_97 : i32
      %convert_element_type3A = arith.extui %lt3A_98 : i1 to i32
      %cond3A = arith.constant 0 : i32
      %cond3A_99 = arith.cmpi ne, %convert_element_type3A, %cond3A : i32
      scf.if %cond3A_99 {
        %mul3A_121 = arith.constant 8 : i32
        %mul3A_122 = arith.muli %add3A_96, %mul3A_121 : i32
        %dma_wait3A_123 = tpu.memref_slice %arg5[%mul3A_122] : memref<512xi32, #tpu.memory_space<vmem>> -> memref<8xi32, #tpu.memory_space<vmem>>
        %dma_wait3A_124 = arith.constant 0 : i32
        %dma_wait3A_125 = arith.constant 0 : i32
        %dma_wait3A_126 = tpu.memref_slice %arg3[%dma_wait3A_124, %dma_wait3A_125] : memref<100000x2048xf32, #tpu.memory_space<hbm>> -> memref<100000x2048xf32, #tpu.memory_space<hbm>>
        tpu.wait_indirect_dma semaphore(%arg11 : memref<!tpu.dma_semaphore, #tpu.memory_space<semaphore_mem>>) src(%dma_wait3A_126 : memref<100000x2048xf32, #tpu.memory_space<hbm>>) dst(%arg7 : memref<8x2048xf32, #tpu.memory_space<vmem>>)
        %mul3A_127 = arith.constant 8 : i32
        %mul3A_128 = arith.muli %add3A_96, %mul3A_127 : i32
        %add3A_129 = arith.addi %mul3A_2, %mul3A_128 : i32
        %dma_start3A_130 = arith.constant 0 : i32
        %dma_start3A_131 = tpu.memref_slice %arg4[%add3A_129, %dma_start3A_130] : memref<16384x2048xf32, #tpu.memory_space<hbm>> -> memref<8x2048xf32, #tpu.memory_space<hbm>>
        %dma_start3A_132 = arith.constant 0 : i32
        %dma_start3A_133 = tpu.memref_slice %arg4[%add3A_129, %dma_start3A_132] : memref<16384x2048xf32, #tpu.memory_space<hbm>> -> memref<8x2048xf32, #tpu.memory_space<hbm>>
        tpu.enqueue_dma source(%arg7 : memref<8x2048xf32, #tpu.memory_space<vmem>>) target(%dma_start3A_133 : memref<8x2048xf32, #tpu.memory_space<hbm>>) target_semaphore(%arg15 : memref<!tpu.dma_semaphore, #tpu.memory_space<semaphore_mem>>)
        %add3A_134 = arith.constant 4 : i32
        %add3A_135 = arith.addi %add3A_96, %add3A_134 : i32
        %sub3A_136 = arith.constant 1 : i32
        %sub3A_137 = arith.subi %add3A_135, %sub3A_136 : i32
        %lt3A_138 = arith.constant 64 : i32
        %lt3A_139 = arith.cmpi slt, %sub3A_137, %lt3A_138 : i32
        %convert_element_type3A_140 = arith.extui %lt3A_139 : i1 to i32
        %cond3A_141 = arith.constant 0 : i32
        %cond3A_142 = arith.cmpi ne, %convert_element_type3A_140, %cond3A_141 : i32
        scf.if %cond3A_142 {
          %sub3A_143 = arith.constant 1 : i32
          %sub3A_144 = arith.subi %add3A_96, %sub3A_143 : i32
          %mul3A_145 = arith.constant 8 : i32
          %mul3A_146 = arith.muli %sub3A_144, %mul3A_145 : i32
          %add3A_147 = arith.addi %mul3A_2, %mul3A_146 : i32
          %dma_wait3A_148 = arith.constant 0 : i32
          %dma_wait3A_149 = tpu.memref_slice %arg4[%add3A_147, %dma_wait3A_148] : memref<16384x2048xf32, #tpu.memory_space<hbm>> -> memref<8x2048xf32, #tpu.memory_space<hbm>>
          %dma_wait3A_150 = arith.constant 0 : i32
          %dma_wait3A_151 = tpu.memref_slice %arg4[%add3A_147, %dma_wait3A_150] : memref<16384x2048xf32, #tpu.memory_space<hbm>> -> memref<8x2048xf32, #tpu.memory_space<hbm>>
          tpu.wait_dma2 semaphore(%arg14 : memref<!tpu.dma_semaphore, #tpu.memory_space<semaphore_mem>>) src(%arg6 : memref<8x2048xf32, #tpu.memory_space<vmem>>) dst(%dma_wait3A_151 : memref<8x2048xf32, #tpu.memory_space<hbm>>)
          %mul3A_152 = arith.constant 8 : i32
          %mul3A_153 = arith.muli %sub3A_137, %mul3A_152 : i32
          %dma_start3A_154 = tpu.memref_slice %arg5[%mul3A_153] : memref<512xi32, #tpu.memory_space<vmem>> -> memref<8xi32, #tpu.memory_space<vmem>>
          %dma_start3A_155 = arith.constant 0 : i32
          %dma_start3A_156 = arith.constant 0 : i32
          %dma_start3A_157 = tpu.memref_slice %arg3[%dma_start3A_155, %dma_start3A_156] : memref<100000x2048xf32, #tpu.memory_space<hbm>> -> memref<100000x2048xf32, #tpu.memory_space<hbm>>
          tpu.enqueue_indirect_dma source(%dma_start3A_157 : memref<100000x2048xf32, #tpu.memory_space<hbm>>) target(%arg6 : memref<8x2048xf32, #tpu.memory_space<vmem>>) offsets(%dma_start3A_154 : memref<8xi32, #tpu.memory_space<vmem>>) semaphore(%arg10 : memref<!tpu.dma_semaphore, #tpu.memory_space<semaphore_mem>>)
        } else {
        }
      } else {
      }
      %add3A_100 = arith.constant 1 : i32
      %add3A_101 = arith.addi %add3A_94, %add3A_100 : i32
      %lt3A_102 = arith.constant 64 : i32
      %lt3A_103 = arith.cmpi slt, %add3A_101, %lt3A_102 : i32
      %convert_element_type3A_104 = arith.extui %lt3A_103 : i1 to i32
      %cond3A_105 = arith.constant 0 : i32
      %cond3A_106 = arith.cmpi ne, %convert_element_type3A_104, %cond3A_105 : i32
      scf.if %cond3A_106 {
        %mul3A_121 = arith.constant 8 : i32
        %mul3A_122 = arith.muli %add3A_101, %mul3A_121 : i32
        %dma_wait3A_123 = tpu.memref_slice %arg5[%mul3A_122] : memref<512xi32, #tpu.memory_space<vmem>> -> memref<8xi32, #tpu.memory_space<vmem>>
        %dma_wait3A_124 = arith.constant 0 : i32
        %dma_wait3A_125 = arith.constant 0 : i32
        %dma_wait3A_126 = tpu.memref_slice %arg3[%dma_wait3A_124, %dma_wait3A_125] : memref<100000x2048xf32, #tpu.memory_space<hbm>> -> memref<100000x2048xf32, #tpu.memory_space<hbm>>
        tpu.wait_indirect_dma semaphore(%arg12 : memref<!tpu.dma_semaphore, #tpu.memory_space<semaphore_mem>>) src(%dma_wait3A_126 : memref<100000x2048xf32, #tpu.memory_space<hbm>>) dst(%arg8 : memref<8x2048xf32, #tpu.memory_space<vmem>>)
        %mul3A_127 = arith.constant 8 : i32
        %mul3A_128 = arith.muli %add3A_101, %mul3A_127 : i32
        %add3A_129 = arith.addi %mul3A_2, %mul3A_128 : i32
        %dma_start3A_130 = arith.constant 0 : i32
        %dma_start3A_131 = tpu.memref_slice %arg4[%add3A_129, %dma_start3A_130] : memref<16384x2048xf32, #tpu.memory_space<hbm>> -> memref<8x2048xf32, #tpu.memory_space<hbm>>
        %dma_start3A_132 = arith.constant 0 : i32
        %dma_start3A_133 = tpu.memref_slice %arg4[%add3A_129, %dma_start3A_132] : memref<16384x2048xf32, #tpu.memory_space<hbm>> -> memref<8x2048xf32, #tpu.memory_space<hbm>>
        tpu.enqueue_dma source(%arg8 : memref<8x2048xf32, #tpu.memory_space<vmem>>) target(%dma_start3A_133 : memref<8x2048xf32, #tpu.memory_space<hbm>>) target_semaphore(%arg16 : memref<!tpu.dma_semaphore, #tpu.memory_space<semaphore_mem>>)
        %add3A_134 = arith.constant 4 : i32
        %add3A_135 = arith.addi %add3A_101, %add3A_134 : i32
        %sub3A_136 = arith.constant 1 : i32
        %sub3A_137 = arith.subi %add3A_135, %sub3A_136 : i32
        %lt3A_138 = arith.constant 64 : i32
        %lt3A_139 = arith.cmpi slt, %sub3A_137, %lt3A_138 : i32
        %convert_element_type3A_140 = arith.extui %lt3A_139 : i1 to i32
        %cond3A_141 = arith.constant 0 : i32
        %cond3A_142 = arith.cmpi ne, %convert_element_type3A_140, %cond3A_141 : i32
        scf.if %cond3A_142 {
          %sub3A_143 = arith.constant 1 : i32
          %sub3A_144 = arith.subi %add3A_101, %sub3A_143 : i32
          %mul3A_145 = arith.constant 8 : i32
          %mul3A_146 = arith.muli %sub3A_144, %mul3A_145 : i32
          %add3A_147 = arith.addi %mul3A_2, %mul3A_146 : i32
          %dma_wait3A_148 = arith.constant 0 : i32
          %dma_wait3A_149 = tpu.memref_slice %arg4[%add3A_147, %dma_wait3A_148] : memref<16384x2048xf32, #tpu.memory_space<hbm>> -> memref<8x2048xf32, #tpu.memory_space<hbm>>
          %dma_wait3A_150 = arith.constant 0 : i32
          %dma_wait3A_151 = tpu.memref_slice %arg4[%add3A_147, %dma_wait3A_150] : memref<16384x2048xf32, #tpu.memory_space<hbm>> -> memref<8x2048xf32, #tpu.memory_space<hbm>>
          tpu.wait_dma2 semaphore(%arg15 : memref<!tpu.dma_semaphore, #tpu.memory_space<semaphore_mem>>) src(%arg7 : memref<8x2048xf32, #tpu.memory_space<vmem>>) dst(%dma_wait3A_151 : memref<8x2048xf32, #tpu.memory_space<hbm>>)
          %mul3A_152 = arith.constant 8 : i32
          %mul3A_153 = arith.muli %sub3A_137, %mul3A_152 : i32
          %dma_start3A_154 = tpu.memref_slice %arg5[%mul3A_153] : memref<512xi32, #tpu.memory_space<vmem>> -> memref<8xi32, #tpu.memory_space<vmem>>
          %dma_start3A_155 = arith.constant 0 : i32
          %dma_start3A_156 = arith.constant 0 : i32
          %dma_start3A_157 = tpu.memref_slice %arg3[%dma_start3A_155, %dma_start3A_156] : memref<100000x2048xf32, #tpu.memory_space<hbm>> -> memref<100000x2048xf32, #tpu.memory_space<hbm>>
          tpu.enqueue_indirect_dma source(%dma_start3A_157 : memref<100000x2048xf32, #tpu.memory_space<hbm>>) target(%arg7 : memref<8x2048xf32, #tpu.memory_space<vmem>>) offsets(%dma_start3A_154 : memref<8xi32, #tpu.memory_space<vmem>>) semaphore(%arg11 : memref<!tpu.dma_semaphore, #tpu.memory_space<semaphore_mem>>)
        } else {
        }
      } else {
      }
      %add3A_107 = arith.constant 2 : i32
      %add3A_108 = arith.addi %add3A_94, %add3A_107 : i32
      %lt3A_109 = arith.constant 64 : i32
      %lt3A_110 = arith.cmpi slt, %add3A_108, %lt3A_109 : i32
      %convert_element_type3A_111 = arith.extui %lt3A_110 : i1 to i32
      %cond3A_112 = arith.constant 0 : i32
      %cond3A_113 = arith.cmpi ne, %convert_element_type3A_111, %cond3A_112 : i32
      scf.if %cond3A_113 {
        %mul3A_121 = arith.constant 8 : i32
        %mul3A_122 = arith.muli %add3A_108, %mul3A_121 : i32
        %dma_wait3A_123 = tpu.memref_slice %arg5[%mul3A_122] : memref<512xi32, #tpu.memory_space<vmem>> -> memref<8xi32, #tpu.memory_space<vmem>>
        %dma_wait3A_124 = arith.constant 0 : i32
        %dma_wait3A_125 = arith.constant 0 : i32
        %dma_wait3A_126 = tpu.memref_slice %arg3[%dma_wait3A_124, %dma_wait3A_125] : memref<100000x2048xf32, #tpu.memory_space<hbm>> -> memref<100000x2048xf32, #tpu.memory_space<hbm>>
        tpu.wait_indirect_dma semaphore(%arg13 : memref<!tpu.dma_semaphore, #tpu.memory_space<semaphore_mem>>) src(%dma_wait3A_126 : memref<100000x2048xf32, #tpu.memory_space<hbm>>) dst(%arg9 : memref<8x2048xf32, #tpu.memory_space<vmem>>)
        %mul3A_127 = arith.constant 8 : i32
        %mul3A_128 = arith.muli %add3A_108, %mul3A_127 : i32
        %add3A_129 = arith.addi %mul3A_2, %mul3A_128 : i32
        %dma_start3A_130 = arith.constant 0 : i32
        %dma_start3A_131 = tpu.memref_slice %arg4[%add3A_129, %dma_start3A_130] : memref<16384x2048xf32, #tpu.memory_space<hbm>> -> memref<8x2048xf32, #tpu.memory_space<hbm>>
        %dma_start3A_132 = arith.constant 0 : i32
        %dma_start3A_133 = tpu.memref_slice %arg4[%add3A_129, %dma_start3A_132] : memref<16384x2048xf32, #tpu.memory_space<hbm>> -> memref<8x2048xf32, #tpu.memory_space<hbm>>
        tpu.enqueue_dma source(%arg9 : memref<8x2048xf32, #tpu.memory_space<vmem>>) target(%dma_start3A_133 : memref<8x2048xf32, #tpu.memory_space<hbm>>) target_semaphore(%arg17 : memref<!tpu.dma_semaphore, #tpu.memory_space<semaphore_mem>>)
        %add3A_134 = arith.constant 4 : i32
        %add3A_135 = arith.addi %add3A_108, %add3A_134 : i32
        %sub3A_136 = arith.constant 1 : i32
        %sub3A_137 = arith.subi %add3A_135, %sub3A_136 : i32
        %lt3A_138 = arith.constant 64 : i32
        %lt3A_139 = arith.cmpi slt, %sub3A_137, %lt3A_138 : i32
        %convert_element_type3A_140 = arith.extui %lt3A_139 : i1 to i32
        %cond3A_141 = arith.constant 0 : i32
        %cond3A_142 = arith.cmpi ne, %convert_element_type3A_140, %cond3A_141 : i32
        scf.if %cond3A_142 {
          %sub3A_143 = arith.constant 1 : i32
          %sub3A_144 = arith.subi %add3A_108, %sub3A_143 : i32
          %mul3A_145 = arith.constant 8 : i32
          %mul3A_146 = arith.muli %sub3A_144, %mul3A_145 : i32
          %add3A_147 = arith.addi %mul3A_2, %mul3A_146 : i32
          %dma_wait3A_148 = arith.constant 0 : i32
          %dma_wait3A_149 = tpu.memref_slice %arg4[%add3A_147, %dma_wait3A_148] : memref<16384x2048xf32, #tpu.memory_space<hbm>> -> memref<8x2048xf32, #tpu.memory_space<hbm>>
          %dma_wait3A_150 = arith.constant 0 : i32
          %dma_wait3A_151 = tpu.memref_slice %arg4[%add3A_147, %dma_wait3A_150] : memref<16384x2048xf32, #tpu.memory_space<hbm>> -> memref<8x2048xf32, #tpu.memory_space<hbm>>
          tpu.wait_dma2 semaphore(%arg16 : memref<!tpu.dma_semaphore, #tpu.memory_space<semaphore_mem>>) src(%arg8 : memref<8x2048xf32, #tpu.memory_space<vmem>>) dst(%dma_wait3A_151 : memref<8x2048xf32, #tpu.memory_space<hbm>>)
          %mul3A_152 = arith.constant 8 : i32
          %mul3A_153 = arith.muli %sub3A_137, %mul3A_152 : i32
          %dma_start3A_154 = tpu.memref_slice %arg5[%mul3A_153] : memref<512xi32, #tpu.memory_space<vmem>> -> memref<8xi32, #tpu.memory_space<vmem>>
          %dma_start3A_155 = arith.constant 0 : i32
          %dma_start3A_156 = arith.constant 0 : i32
          %dma_start3A_157 = tpu.memref_slice %arg3[%dma_start3A_155, %dma_start3A_156] : memref<100000x2048xf32, #tpu.memory_space<hbm>> -> memref<100000x2048xf32, #tpu.memory_space<hbm>>
          tpu.enqueue_indirect_dma source(%dma_start3A_157 : memref<100000x2048xf32, #tpu.memory_space<hbm>>) target(%arg8 : memref<8x2048xf32, #tpu.memory_space<vmem>>) offsets(%dma_start3A_154 : memref<8xi32, #tpu.memory_space<vmem>>) semaphore(%arg12 : memref<!tpu.dma_semaphore, #tpu.memory_space<semaphore_mem>>)
        } else {
        }
      } else {
      }
      %add3A_114 = arith.constant 3 : i32
      %add3A_115 = arith.addi %add3A_94, %add3A_114 : i32
      %lt3A_116 = arith.constant 64 : i32
      %lt3A_117 = arith.cmpi slt, %add3A_115, %lt3A_116 : i32
      %convert_element_type3A_118 = arith.extui %lt3A_117 : i1 to i32
      %cond3A_119 = arith.constant 0 : i32
      %cond3A_120 = arith.cmpi ne, %convert_element_type3A_118, %cond3A_119 : i32
      scf.if %cond3A_120 {
        %mul3A_121 = arith.constant 8 : i32
        %mul3A_122 = arith.muli %add3A_115, %mul3A_121 : i32
        %dma_wait3A_123 = tpu.memref_slice %arg5[%mul3A_122] : memref<512xi32, #tpu.memory_space<vmem>> -> memref<8xi32, #tpu.memory_space<vmem>>
        %dma_wait3A_124 = arith.constant 0 : i32
        %dma_wait3A_125 = arith.constant 0 : i32
        %dma_wait3A_126 = tpu.memref_slice %arg3[%dma_wait3A_124, %dma_wait3A_125] : memref<100000x2048xf32, #tpu.memory_space<hbm>> -> memref<100000x2048xf32, #tpu.memory_space<hbm>>
        tpu.wait_indirect_dma semaphore(%arg10 : memref<!tpu.dma_semaphore, #tpu.memory_space<semaphore_mem>>) src(%dma_wait3A_126 : memref<100000x2048xf32, #tpu.memory_space<hbm>>) dst(%arg6 : memref<8x2048xf32, #tpu.memory_space<vmem>>)
        %mul3A_127 = arith.constant 8 : i32
        %mul3A_128 = arith.muli %add3A_115, %mul3A_127 : i32
        %add3A_129 = arith.addi %mul3A_2, %mul3A_128 : i32
        %dma_start3A_130 = arith.constant 0 : i32
        %dma_start3A_131 = tpu.memref_slice %arg4[%add3A_129, %dma_start3A_130] : memref<16384x2048xf32, #tpu.memory_space<hbm>> -> memref<8x2048xf32, #tpu.memory_space<hbm>>
        %dma_start3A_132 = arith.constant 0 : i32
        %dma_start3A_133 = tpu.memref_slice %arg4[%add3A_129, %dma_start3A_132] : memref<16384x2048xf32, #tpu.memory_space<hbm>> -> memref<8x2048xf32, #tpu.memory_space<hbm>>
        tpu.enqueue_dma source(%arg6 : memref<8x2048xf32, #tpu.memory_space<vmem>>) target(%dma_start3A_133 : memref<8x2048xf32, #tpu.memory_space<hbm>>) target_semaphore(%arg14 : memref<!tpu.dma_semaphore, #tpu.memory_space<semaphore_mem>>)
        %add3A_134 = arith.constant 4 : i32
        %add3A_135 = arith.addi %add3A_115, %add3A_134 : i32
        %sub3A_136 = arith.constant 1 : i32
        %sub3A_137 = arith.subi %add3A_135, %sub3A_136 : i32
        %lt3A_138 = arith.constant 64 : i32
        %lt3A_139 = arith.cmpi slt, %sub3A_137, %lt3A_138 : i32
        %convert_element_type3A_140 = arith.extui %lt3A_139 : i1 to i32
        %cond3A_141 = arith.constant 0 : i32
        %cond3A_142 = arith.cmpi ne, %convert_element_type3A_140, %cond3A_141 : i32
        scf.if %cond3A_142 {
          %sub3A_143 = arith.constant 1 : i32
          %sub3A_144 = arith.subi %add3A_115, %sub3A_143 : i32
          %mul3A_145 = arith.constant 8 : i32
          %mul3A_146 = arith.muli %sub3A_144, %mul3A_145 : i32
          %add3A_147 = arith.addi %mul3A_2, %mul3A_146 : i32
          %dma_wait3A_148 = arith.constant 0 : i32
          %dma_wait3A_149 = tpu.memref_slice %arg4[%add3A_147, %dma_wait3A_148] : memref<16384x2048xf32, #tpu.memory_space<hbm>> -> memref<8x2048xf32, #tpu.memory_space<hbm>>
          %dma_wait3A_150 = arith.constant 0 : i32
          %dma_wait3A_151 = tpu.memref_slice %arg4[%add3A_147, %dma_wait3A_150] : memref<16384x2048xf32, #tpu.memory_space<hbm>> -> memref<8x2048xf32, #tpu.memory_space<hbm>>
          tpu.wait_dma2 semaphore(%arg17 : memref<!tpu.dma_semaphore, #tpu.memory_space<semaphore_mem>>) src(%arg9 : memref<8x2048xf32, #tpu.memory_space<vmem>>) dst(%dma_wait3A_151 : memref<8x2048xf32, #tpu.memory_space<hbm>>)
          %mul3A_152 = arith.constant 8 : i32
          %mul3A_153 = arith.muli %sub3A_137, %mul3A_152 : i32
          %dma_start3A_154 = tpu.memref_slice %arg5[%mul3A_153] : memref<512xi32, #tpu.memory_space<vmem>> -> memref<8xi32, #tpu.memory_space<vmem>>
          %dma_start3A_155 = arith.constant 0 : i32
          %dma_start3A_156 = arith.constant 0 : i32
          %dma_start3A_157 = tpu.memref_slice %arg3[%dma_start3A_155, %dma_start3A_156] : memref<100000x2048xf32, #tpu.memory_space<hbm>> -> memref<100000x2048xf32, #tpu.memory_space<hbm>>
          tpu.enqueue_indirect_dma source(%dma_start3A_157 : memref<100000x2048xf32, #tpu.memory_space<hbm>>) target(%arg9 : memref<8x2048xf32, #tpu.memory_space<vmem>>) offsets(%dma_start3A_154 : memref<8xi32, #tpu.memory_space<vmem>>) semaphore(%arg13 : memref<!tpu.dma_semaphore, #tpu.memory_space<semaphore_mem>>)
        } else {
        }
      } else {
      }
    }
    %scan3A_65 = arith.constant 16 : i32
    %add3A_66 = arith.constant 480 : i32
    %add3A_67 = arith.addi %mul3A_2, %add3A_66 : i32
    %dma_wait3A_68 = arith.constant 0 : i32
    %dma_wait3A_69 = tpu.memref_slice %arg4[%add3A_67, %dma_wait3A_68] : memref<16384x2048xf32, #tpu.memory_space<hbm>> -> memref<8x2048xf32, #tpu.memory_space<hbm>>
    %dma_wait3A_70 = arith.constant 0 : i32
    %dma_wait3A_71 = tpu.memref_slice %arg4[%add3A_67, %dma_wait3A_70] : memref<16384x2048xf32, #tpu.memory_space<hbm>> -> memref<8x2048xf32, #tpu.memory_space<hbm>>
    tpu.wait_dma2 semaphore(%arg14 : memref<!tpu.dma_semaphore, #tpu.memory_space<semaphore_mem>>) src(%arg6 : memref<8x2048xf32, #tpu.memory_space<vmem>>) dst(%dma_wait3A_71 : memref<8x2048xf32, #tpu.memory_space<hbm>>)
    %add3A_72 = arith.constant 488 : i32
    %add3A_73 = arith.addi %mul3A_2, %add3A_72 : i32
    %dma_wait3A_74 = arith.constant 0 : i32
    %dma_wait3A_75 = tpu.memref_slice %arg4[%add3A_73, %dma_wait3A_74] : memref<16384x2048xf32, #tpu.memory_space<hbm>> -> memref<8x2048xf32, #tpu.memory_space<hbm>>
    %dma_wait3A_76 = arith.constant 0 : i32
    %dma_wait3A_77 = tpu.memref_slice %arg4[%add3A_73, %dma_wait3A_76] : memref<16384x2048xf32, #tpu.memory_space<hbm>> -> memref<8x2048xf32, #tpu.memory_space<hbm>>
    tpu.wait_dma2 semaphore(%arg15 : memref<!tpu.dma_semaphore, #tpu.memory_space<semaphore_mem>>) src(%arg7 : memref<8x2048xf32, #tpu.memory_space<vmem>>) dst(%dma_wait3A_77 : memref<8x2048xf32, #tpu.memory_space<hbm>>)
    %add3A_78 = arith.constant 496 : i32
    %add3A_79 = arith.addi %mul3A_2, %add3A_78 : i32
    %dma_wait3A_80 = arith.constant 0 : i32
    %dma_wait3A_81 = tpu.memref_slice %arg4[%add3A_79, %dma_wait3A_80] : memref<16384x2048xf32, #tpu.memory_space<hbm>> -> memref<8x2048xf32, #tpu.memory_space<hbm>>
    %dma_wait3A_82 = arith.constant 0 : i32
    %dma_wait3A_83 = tpu.memref_slice %arg4[%add3A_79, %dma_wait3A_82] : memref<16384x2048xf32, #tpu.memory_space<hbm>> -> memref<8x2048xf32, #tpu.memory_space<hbm>>
    tpu.wait_dma2 semaphore(%arg16 : memref<!tpu.dma_semaphore, #tpu.memory_space<semaphore_mem>>) src(%arg8 : memref<8x2048xf32, #tpu.memory_space<vmem>>) dst(%dma_wait3A_83 : memref<8x2048xf32, #tpu.memory_space<hbm>>)
    %add3A_84 = arith.constant 504 : i32
    %add3A_85 = arith.addi %mul3A_2, %add3A_84 : i32
    %dma_wait3A_86 = arith.constant 0 : i32
    %dma_wait3A_87 = tpu.memref_slice %arg4[%add3A_85, %dma_wait3A_86] : memref<16384x2048xf32, #tpu.memory_space<hbm>> -> memref<8x2048xf32, #tpu.memory_space<hbm>>
    %dma_wait3A_88 = arith.constant 0 : i32
    %dma_wait3A_89 = tpu.memref_slice %arg4[%add3A_85, %dma_wait3A_88] : memref<16384x2048xf32, #tpu.memory_space<hbm>> -> memref<8x2048xf32, #tpu.memory_space<hbm>>
    tpu.wait_dma2 semaphore(%arg17 : memref<!tpu.dma_semaphore, #tpu.memory_space<semaphore_mem>>) src(%arg9 : memref<8x2048xf32, #tpu.memory_space<vmem>>) dst(%dma_wait3A_89 : memref<8x2048xf32, #tpu.memory_space<hbm>>)
    return
  }
}

module attributes {stable_mosaic.version = 14 : i64} {
  func.func @_rope_body(%arg0: i32, %arg1: i32, %arg2: memref<1x128xf32, #tpu.memory_space<vmem>>, %arg3: memref<1x512x128xf32, #tpu.memory_space<vmem>>, %arg4: memref<1x512x128xf32, #tpu.memory_space<vmem>>, %arg5: memref<4x4096xi32, #tpu.memory_space<vmem>>) attributes {dimension_semantics = [#tpu.dimension_semantics<arbitrary>, #tpu.dimension_semantics<arbitrary>], iteration_bounds = array<i64: 4, 8>, scalar_prefetch = 0 : i64, scratch_operands = 0 : i64, tpu.core_type = #tpu.core_type<tc>, window_params = [{pipeline_mode = #tpu.pipeline_mode<synchronous>, transform_indices = @transform_0, window_bounds = array<i64: 1, 128>}, {transform_indices = @transform_1, window_bounds = array<i64: 1, 512, 128>}, {transform_indices = @transform_2, window_bounds = array<i64: 1, 512, 128>}, {pipeline_mode = #tpu.pipeline_mode<synchronous>, transform_indices = @transform_3, window_bounds = array<i64: 4, 4096>}]} {
    %mul3A = arith.constant 512 : i32
    %mul3A_0 = arith.muli %arg1, %mul3A : i32
    %iota3A = tpu.iota {dimensions = array<i32: 1>} : vector<1x512x128xi32>
    %add3A = vector.broadcast %mul3A_0 : i32 to vector<1x512x128xi32>
    %add3A_1 = arith.addi %add3A, %iota3A : vector<1x512x128xi32>
    %convert_element_type3A = arith.sitofp %add3A_1 : vector<1x512x128xi32> to vector<1x512x128xf32>
    %get3A = arith.constant 0 : index
    %get3A_2 = arith.constant 0 : index
    %get3A_3 = vector.load %arg2[%get3A, %get3A_2] : memref<1x128xf32, #tpu.memory_space<vmem>>, vector<1x128xf32>
    %broadcast_in_dim3A = vector.shape_cast %get3A_3 : vector<1x128xf32> to vector<1x1x128xf32>
    %mul3A_4 = vector.broadcast %broadcast_in_dim3A : vector<1x1x128xf32> to vector<1x512x128xf32>
    %mul3A_5 = arith.mulf %convert_element_type3A, %mul3A_4 : vector<1x512x128xf32>
    %cos3A = math.cos %mul3A_5 : vector<1x512x128xf32>
    %swap3A = arith.constant 0 : index
    %swap3A_6 = arith.constant 0 : index
    %swap3A_7 = arith.constant 0 : index
    %swap3A_8 = vector.load %arg3[%swap3A, %swap3A_6, %swap3A_7] : memref<1x512x128xf32, #tpu.memory_space<vmem>>, vector<1x512x128xf32>
    tpu.vector_store %arg3[%swap3A, %swap3A_6, %swap3A_7], %cos3A {strides = array<i32>} : memref<1x512x128xf32, #tpu.memory_space<vmem>>, vector<1x512x128xf32>,
    %sin3A = math.sin %mul3A_5 : vector<1x512x128xf32>
    %swap3A_9 = arith.constant 0 : index
    %swap3A_10 = arith.constant 0 : index
    %swap3A_11 = arith.constant 0 : index
    %swap3A_12 = vector.load %arg4[%swap3A_9, %swap3A_10, %swap3A_11] : memref<1x512x128xf32, #tpu.memory_space<vmem>>, vector<1x512x128xf32>
    tpu.vector_store %arg4[%swap3A_9, %swap3A_10, %swap3A_11], %sin3A {strides = array<i32>} : memref<1x512x128xf32, #tpu.memory_space<vmem>>, vector<1x512x128xf32>,
    %iota3A_13 = tpu.iota {dimensions = array<i32: 1>} : vector<4x4096xi32>
    %swap3A_14 = arith.constant 0 : index
    %swap3A_15 = arith.constant 0 : index
    %swap3A_16 = vector.load %arg5[%swap3A_14, %swap3A_15] : memref<4x4096xi32, #tpu.memory_space<vmem>>, vector<4x4096xi32>
    tpu.vector_store %arg5[%swap3A_14, %swap3A_15], %iota3A_13 {strides = array<i32>} : memref<4x4096xi32, #tpu.memory_space<vmem>>, vector<4x4096xi32>,
    return
  }
  func.func @transform_0(%arg0: i32, %arg1: i32) -> (i32, i32) {
    %c0_i32 = arith.constant 0 : i32
    %c0_i32_0 = arith.constant 0 : i32
    %c0_i32_1 = arith.constant 0 : i32
    return %c0_i32, %c0_i32_0 : i32, i32
  }
  func.func @transform_1(%arg0: i32, %arg1: i32) -> (i32, i32, i32) {
    %c0_i32 = arith.constant 0 : i32
    %c0_i32_0 = arith.constant 0 : i32
    return %arg0, %arg1, %c0_i32 : i32, i32, i32
  }
  func.func @transform_2(%arg0: i32, %arg1: i32) -> (i32, i32, i32) {
    %c0_i32 = arith.constant 0 : i32
    %c0_i32_0 = arith.constant 0 : i32
    return %arg0, %arg1, %c0_i32 : i32, i32, i32
  }
  func.func @transform_3(%arg0: i32, %arg1: i32) -> (i32, i32) {
    %c0_i32 = arith.constant 0 : i32
    %c0_i32_0 = arith.constant 0 : i32
    %c0_i32_1 = arith.constant 0 : i32
    return %c0_i32, %c0_i32_0 : i32, i32
  }
}

</mosaic_0001>

<sc_bundles>
// kernel: kernel.4.cloned.1.call-start
scs
__scs_entry_jumppad:
0x0: {  	(pc) =	sbr.rel $0x88, $3  }
0x1: {  	(tag) =	ssettag $0x0;
	lr =	simm.s32 $0x1  }
0x2: {  	[smem:$0x3F9E] =	sst lr;
	_ =	strace $0xD0000000  }
0x3: {  	_ = 	snop  }
0x4: {  	_ = 	snop  }
0x5: {  	_ = 	snop  }
0x6: {  	_ = 	snop  }
0x7: {  	_ = 	snop  }
__scs_overlays_trampoline_lowered:
0x8: {  	[smem:$0x3FAD] =	sst s0  }
0x9: {  	[smem:$0x3FAE] =	sst s1  }
0xa: {  	[smem:$0x3FAF] =	sst s2  }
0xb: {  	[smem:$0x3FB0] =	sst s3  }
0xc: {  	[smem:$0x3FB1] =	sst s4  }
0xd: {  	[smem:$0x3FB2] =	sst s5  }
0xe: {  	[smem:$0x3FB3] =	sst s6  }
0xf: {  	[smem:$0x3FB4] =	sst s7  }
0x10: {  	[smem:$0x3FB5] =	sst s8  }
0x11: {  	[smem:$0x3FB6] =	sst s9;
	s0 =	simm.s32 @!p0 $0x0  }
0x12: {  	s1 =	sld [smem:$0x3F9C];
	s0 =	simm.s32 @p0 $0x1  }
0x13: {  	[smem:$0x3FB7] =	sst s0;
	s0 =	simm.s32 @!p1 $0x0  }
0x14: {  	s2 =	sld [smem:$0x3F9B];
	s0 =	simm.s32 @p1 $0x1  }
0x15: {  	[smem:$0x3FB8] =	sst s0;
	s0 =	simm.s32 @!p2 $0x0  }
0x16: {  	s3 =	sld [smem:$0x3FDB];
	s0 =	simm.s32 @p2 $0x1  }
0x17: {  	s4 =	simm.s32 $0x1BF5;
	[smem:$0x3FBA] =	sst s0  }
0x18: {  	s0 =	sld [smem:$0x3F9D];
	_ =	swait.ge [sflag:s4], $0x0  }
0x19: {  	s7 =	sld [smem:$0x3F9E]  }
0x1a: {  	s8 =	sadd.s32 $0xFFFFE003, lr  }
0x1b: {  	s9 =	sadd.s32 $0xFFFFFEF7, lr;
	s5 =	simm.s32 $0xFFFFFFFF;
	p2 =	slt.u32 s8, $0xFFFFF086  }
0x1c: {  	p1 =	slt.u32 s9, $0xF7A;
	s5 =	simm.s32 @!p2 $0x0  }
0x1d: {  	s5 =	simm.s32 @p1 $0x1;
	p0 =	seq.s32 s7, s2  }
0x1e: {  	s7 =	smul.u32 @!p0 $0xF7A, s2;
	p2 =	seq.s32 @!p0 s5, $0x0  }
0x1f: {  	s9 =	smul.u32 $0xF7A, s1;
	s8 =	simm.s32 @!p0 $0x1BF5;
	p2 =	por !p2, p0  }
0x20: {  	[sflag:s8] =	ssyncset.s32 @!p0 $0xFFFFF086;
	s6 =	sadd.s32 @!p0 s3, s7;
	s7 =	simm.s32 @!p0 $0x108  }
0x21: {  	s3 =	sadd.s32 s3, s9;
	s6 =	sadd.s32 @!p0 $0x88, s6;
	s7 =	simm.s32 @p2 $0x1082  }
0x22: {  	[simem:s7], [sflag:s8] =	dma.local @!p0 [hbm:s6], $0xF7A  }
0x23: {  	s9 =	sor.u32 $0xD0000000, s2;
	s6 =	simm.s32 $0x108;
	_ =	swait.ge @!p0 [sflag:s8], $0x0  }
0x24: {  	s3 =	sadd.s32 $0x88, s3;
	s6 =	simm.s32 @!p1 $0x1082;
	[sflag:s4] =	ssyncset.s32 $0xFFFFF086  }
0x25: {  	[simem:s6], [sflag:s4] =	dma.local [hbm:s3], $0xF7A  }
0x26: {  	[smem:$0x3F9E] =	sst s1;
	(tag) =	ssettag s2;
	_ =	strace s9  }
0x27: {  	s1 =	sld [smem:$0x3FAE]  }
0x28: {  	s2 =	sld [smem:$0x3FAF]  }
0x29: {  	s4 =	sld [smem:$0x3FB1]  }
0x2a: {  	p0 =	seq.s32 s5, $0x0;
	s5 =	sld [smem:$0x3FB2]  }
0x2b: {  	s6 =	sld [smem:$0x3FB3]  }
0x2c: {  	s7 =	sld [smem:$0x3FB4]  }
0x2d: {  	s3 =	simm.s32 $0x108;
	s8 =	sld [smem:$0x3FB5]  }
0x2e: {  	s3 =	simm.s32 @!p0 $0x1082;
	s9 =	sld [smem:$0x3FB6]  }
0x2f: {  	lr =	sadd.s32 s0, s3;
	s0 =	sld [smem:$0x3FAD]  }
0x30: {  	s3 =	sld [smem:$0x3FB0]  }
0x31: {  	[smem:$0x3FB9] =	sst s10  }
0x32: {  	s10 =	sld [smem:$0x3FB7];
	_ =	sdelay $0x3  }
0x33: {  	p0 =	seq.s32 s10, $0x1;
	s10 =	sld [smem:$0x3FB9];
	_ =	sdelay $0x3  }
0x34: {  	[smem:$0x3FB9] =	sst s10  }
0x35: {  	s10 =	sld [smem:$0x3FB8];
	_ =	sdelay $0x3  }
0x36: {  	p1 =	seq.s32 s10, $0x1;
	s10 =	sld [smem:$0x3FB9];
	_ =	sdelay $0x3  }
0x37: {  	[smem:$0x3FB9] =	sst s10  }
0x38: {  	s10 =	sld [smem:$0x3FBA]  }
0x39: {  	_ = 	snop;
	(pc) =	sbr.ind lr, $3  }
0x3a: {  	_ = 	snop  }
0x3b: {  	_ = 	snop  }
0x3c: {  	p2 =	seq.s32 s10, $0x1;
	s10 =	sld [smem:$0x3FB9]  }
0x3d: {  	_ =	shalt  }
0x3e: {  	_ =	shalt  }
0x3f: {  	_ =	shalt  }
0x40: {  	_ =	shalt  }
0x41: {  	_ =	shalt  }
0x42: {  	_ =	shalt  }
0x43: {  	_ =	shalt  }
0x44: {  	_ =	shalt  }
0x45: {  	_ =	shalt  }
0x46: {  	_ =	shalt  }
0x47: {  	_ =	shalt  }
0x48: {  	_ =	shalt  }
0x49: {  	_ =	shalt  }
0x4a: {  	_ =	shalt  }
0x4b: {  	_ =	shalt  }
0x4c: {  	_ =	shalt  }
0x4d: {  	_ =	shalt  }
0x4e: {  	_ =	shalt  }
0x4f: {  	_ =	shalt  }
0x50: {  	_ =	shalt  }
0x51: {  	_ =	shalt  }
0x52: {  	_ =	shalt  }
0x53: {  	_ =	shalt  }
0x54: {  	_ =	shalt  }
0x55: {  	_ =	shalt  }
0x56: {  	_ =	shalt  }
0x57: {  	_ =	shalt  }
0x58: {  	_ =	shalt  }
0x59: {  	_ =	shalt  }
0x5a: {  	_ =	shalt  }
0x5b: {  	_ =	shalt  }
0x5c: {  	_ =	shalt  }
0x5d: {  	_ =	shalt  }
0x5e: {  	_ =	shalt  }
0x5f: {  	_ =	shalt  }
0x60: {  	_ =	shalt  }
0x61: {  	_ =	shalt  }
0x62: {  	_ =	shalt  }
0x63: {  	_ =	shalt  }
0x64: {  	_ =	shalt  }
0x65: {  	_ =	shalt  }
0x66: {  	_ =	shalt  }
0x67: {  	_ =	shalt  }
0x68: {  	_ =	shalt  }
0x69: {  	_ =	shalt  }
0x6a: {  	_ =	shalt  }
0x6b: {  	_ =	shalt  }
0x6c: {  	_ =	shalt  }
0x6d: {  	_ =	shalt  }
0x6e: {  	_ =	shalt  }
0x6f: {  	_ =	shalt  }
0x70: {  	_ =	shalt  }
0x71: {  	_ =	shalt  }
0x72: {  	_ =	shalt  }
0x73: {  	_ =	shalt  }
0x74: {  	_ =	shalt  }
0x75: {  	_ =	shalt  }
0x76: {  	_ =	shalt  }
0x77: {  	_ =	shalt  }
0x78: {  	_ =	shalt  }
0x79: {  	_ =	shalt  }
0x7a: {  	_ =	shalt  }
0x7b: {  	_ =	shalt  }
0x7c: {  	_ =	shalt  }
0x7d: {  	_ =	shalt  }
0x7e: {  	_ =	shalt  }
0x7f: {  	_ =	shalt  }
0x80: {  	_ =	shalt  }
0x81: {  	_ =	shalt  }
0x82: {  	_ =	shalt  }
0x83: {  	_ =	shalt  }
0x84: {  	_ =	shalt  }
0x85: {  	_ =	shalt  }
0x86: {  	_ =	shalt  }
0x87: {  	_ =	shalt  }
.Lfunc_end0:
.L_simem_size_0:
called_computation_lowered:
.L_overlay_start_0:
0x88: {  	s2 =	sld [smem:$0x3FD9]  }
0x89: {  	s3 =	sld [smem:$0x3FFE];
	_ =	sdelay $0x1  }
0x8a: {  	s1 =	srdreg.scid  }
0x8b: {  	s0 =	sand.u32 $0x1, s1  }
0x8c: {  	s15 =	sshll.u32 s0, $0xA;
	s2 =	sadd.s32 s3, s2  }
0x8d: {  	s2 =	sadd.s32 s2, s15  }
0x8e: {  	[smem:$0x3FC5] =	sst s2  }
0x8f: {  	_ = 	snop  }
0x90: {  	s2 =	sld [smem:$0x3FD0];
	_ =	sdelay $0x1  }
0x91: {  	s16 =	sld [smem:$0x3FC9]  }
0x92: {  	s5 =	simm.s32 $0xA;
	s6 =	simm.s32 $0x10;
	s4 =	sld [smem:$0x3FC7]  }
0x93: {  	[smem:s6], [sflag:s5] =	dma.local [hbm:s2], $0x1  }
0x94: {  	_ =	swait.eq [sflag:s5], $0x1  }
0x95: {  	[sflag:s5] =	ssyncset.done $0x0  }
0x96: {  	[sflag:s5] =	ssyncadd.s32 $0xFFFFFFFF  }
0x97: {  	s17 =	sld [smem:$0x10];
	(tm) =	ssettm $0x1  }
0x98: {  	s18 =	sld [smem:$0x3FFB];
	_ =	sdelay $0x3  }
0x99: {  	_ =	strace s18  }
0x9a: {  	s5 =	sld [smem:$0x3FFC];
	_ =	sdelay $0x3  }
0x9b: {  	_ =	strace s5  }
0x9c: {  	s5 =	sld [smem:$0x3FFD];
	_ =	sdelay $0x3  }
0x9d: {  	_ =	strace s5  }
0x9e: {  	_ =	strace $0x8FFFFFFF  }
0x9f: {  	s19 =	sld [smem:$0x3FDB];
	_ =	sdelay $0x1  }
0xa0: {  	s20 =	simm.s32 $_scs_section_size  }
0xa1: {  	s7 =	simm.s32 $_size__tile_overlayer_lowered;
	s8 =	simm.s32 $_tile_overlayer_lowered  }
0xa2: {  	s23 =	simm.s32 $0x1BFF;
	s22 =	sshll.u32 s8, $0x1;
	s5 =	sadd.s32 s20, s19  }
0xa3: {  	s9 =	simm.s32 $0x0;
	s21 =	sshll.u32 s7, $0x1;
	s7 =	sadd.s32 s22, s5  }
0xa4: {  	[timem:s9], [sflag:s23] =	dma.local [hbm:s7], s21  }
0xa5: {  	_ =	swait.ge [sflag:s23], s21  }
0xa6: {  	s6 =	ssub.s32 $0x0, s21;
	[sflag:s23] =	ssyncset.done $0x0  }
0xa7: {  	[sflag:s23] =	ssyncadd.s32 s6;
	_ =	sdelay $0x1  }
0xa8: {  	s24 =	simm.s32 $0x1B8B  }
0xa9: {  	_ =	swait.ge [sflag:s24], $0x1  }
0xaa: {  	[sflag:s24] =	ssyncset.done $0x0  }
0xab: {  	s25 =	simm.s32 $0x1B8E;
	[sflag:s24] =	ssyncadd.s32 $0xFFFFFFFF  }
0xac: {  	s26 =	simm.s32 $execute0_lowered;
	[smem:$0x3FD2] =	sst s25  }
0xad: {  	s6 =	sshll.u32 s26, $0x1;
	_ =	strace $0x80000046;
	[dreg:$0x1] =	wrdreg $0xFFFFFFFF  }
0xae: {  	s28 =	simm.s32 $_size_execute0_lowered;
	s5 =	sadd.s32 s5, s6;
	[dreg:$0x0] =	wrdreg $0x0  }
0xaf: {  	s6 =	sshll.u32 s28, $0x1;
	[dreg:$0x2] =	wrdreg s5  }
0xb0: {  	[dreg:$0x3] =	wrdreg s6  }
0xb1: {  	[dreg:$0x4] =	wrdreg $0xC0  }
0xb2: {  	_ =	task [dreg:s9], $0x5FFFF  }
0xb3: {  	[dreg:$0x1] =	wrdreg $0xFFFFFFFF  }
0xb4: {  	[dreg:$0x0] =	wrdreg $0x60  }
0xb5: {  	[dreg:$0x2] =	wrdreg s16  }
0xb6: {  	[dreg:$0x3] =	wrdreg s4  }
0xb7: {  	[dreg:$0x4] =	wrdreg s17  }
0xb8: {  	[dreg:$0x5] =	wrdreg $0x9  }
0xb9: {  	_ =	task.clear_ibuf [dreg:s9], $0x6FFFF;
	_ =	strace $0x90000046  }
0xba: {  	s29 =	simm.s32 $0x9;
	_ =	strace $0x80000048  }
0xbb: {  	_ =	swait.ge [sflag:s29], $0x1  }
0xbc: {  	[sflag:s29] =	ssyncadd.s32 $0xFFFFFFFF  }
0xbd: {  	_ =	strace $0x90000048  }
0xbe: {  	_ =	sfence  }
0xbf: {  	s30 =	sld [smem:$0x0];
	_ =	sdelay $0x2  }
0xc0: {  	s31 =	sshll.u32 s1, $0xD;
	s1 =	sshrl.u32 s1, $0x2  }
0xc1: {  	s3 =	sand.u32 $0x4000, s31;
	s1 =	sadd.s32 s1, s30  }
0xc2: {  	s0 =	sor.u32 s3, s0;
	s1 =	sshll.u32 s1, $0x11  }
0xc3: {  	s0 =	sor.u32 s1, s0  }
0xc4: {  	s0 =	sadd.s32 $0x8F2B, s0  }
0xc5: {  	[sflag:s0] =	ssyncadd.remote.s32 $0x1  }
0xc6: {  	_ =	sfence.sel $0xFFFF  }
0xc7: {  	[dreg:$0x0] =	wrdreg $0xFFFFFFFF;
	(pc) =	sbr.abs _section_cstart, $3  }
0xc8: {  	[dreg:$0x1] =	wrdreg $0xFFFFFFFF  }
0xc9: {  	_ =	task.clear_ibuf [dreg:s9], $0x2FFFF;
	_ =	strace $0x9FFFFFFF  }
0xca: {  	(tm) =	ssettm $0x7FFFFFFF  }
0xcb: {  	_ =	shalt  }
tec
execute0_lowered:
.L_overlay_start_1:
0x0: {  	(tag) =	ssettag $0x1  }
0x1: {  	s1 =	rddreg [dreg:$0x0]  }
0x2: {  	s0 =	srdreg.scid;
	s2 =	rddreg [dreg:$0x1]  }
0x3: {  	s6 =	stileid.u32;
	s12 =	rddreg [dreg:$0x2]  }
0x4: {  	s19 =	simm.s32 $0x8200;
	s29 =	simm.s32 $0x1;
	s30 =	simm.s32 $0xC200  }
0x5: {  	s16 =	simm.s32 $0xE200;
	s13 =	simm.s32 $0xF200;
	s18 =	simm.s32 $0xFA00  }
0x6: {  	s17 =	simm.s32 $0x2;
	s26 =	simm.s32 $0x3;
	s20 =	simm.s32 $0x4  }
0x7: {  	s21 =	simm.s32 $0x7;
	s22 =	simm.s32 $0x8;
	s0 =	sand.u32 $0x1, s0  }
0x8: {  	s3 =	sshll.u32 s6, $0xA;
	s6 =	sshll.u32 s6, $0x5;
	s7 =	sadd.s32 $0x300, s2  }
0x9: {  	s8 =	sadd.s32 $0x400, s2;
	s9 =	sadd.s32 $0x500, s2;
	s10 =	sadd.s32 $0x600, s2  }
0xa: {  	s11 =	sadd.s32 $0x700, s2;
	s4 =	sshll.u32 s0, $0x9;
	s0 =	ssub.s32 $0x2, s0  }
0xb: {  	s4 =	sor.u32 s4, s3;
	s3 =	simm.s32 $0x0;
	s28 =	sshrl.u32 s0, $0x1  }
0xc: {  	s5 =	sshll.u32 s4, $0x2;
	[smem:$0x7FF] =	sst s3;
	s0 =	ssub.s32 s0, s28  }
0xd: {  	s31 =	sshll.u32 s4, $0x8;
	s4 =	simm.s32 $0xEA00;
	s5 =	sor.u32 s6, s5  }
.Ltmp0:
0xe: {  	_ =	strace $0x80000047;
	s6 =	sadd.s32 $0x200, s2;
	(pc) =	sbr.rel .LBB2_1-.Ltmp0, $4  }
0xf: {  	s12 =	sadd.s32 s31, s12;
	s0 =	smax.u32 s0, $0x1;
	s5 =	sand.u32 $0x3980, s5  }
0x10: {  	v0 =	vlaneseq.u32;
	[dreg:$0x5] =	wrdreg s0;
	s14 =	sadd.s32 $0x1000, s12;
	s5 =	sshrl.u32 s5, $0x3  }
0x11: {  	v1 =	vshrl.u32 v0, $0x3;
	s15 =	sadd.s32 $0x2000, s12;
	s0 =	simm.s32 $0xDA00;
	s1 =	sadd.s32 s1, s5  }
0x12: {  	vm0 =	vmmov $0xffff;
	v0 =	vand.u32 $0x7, v0;
	v1 =	vmul.u32 $0x8, v1;
	s5 =	sadd.s32 $0x100, s2;
	[dreg:$0x4] =	wrdreg s1;
	s1 =	simm.s32 $0x0  }
.LBB2_4:
0x13: {  	s1 =	simm.s32 $0x5  }
0x14: {  	_ =	swait.ge [sflag:s1], $0x4000  }
0x15: {  	[sflag:s1] =	ssyncset.done $0x0  }
0x16: {  	s28 =	simm.s32 $0x6;
	[sflag:s1] =	ssyncadd.s32 $0xFFFFC000  }
0x17: {  	_ =	swait.ge [sflag:s28], $0x4000  }
0x18: {  	[sflag:s28] =	ssyncset.done $0x0  }
0x19: {  	[sflag:s28] =	ssyncadd.s32 $0xFFFFC000  }
0x1a: {  	_ =	swait.ge [sflag:s21], $0x4000  }
0x1b: {  	[sflag:s21] =	ssyncset.done $0x0  }
0x1c: {  	[sflag:s21] =	ssyncadd.s32 $0xFFFFC000  }
0x1d: {  	_ =	swait.ge [sflag:s22], $0x4000  }
0x1e: {  	s31 =	rddreg [dreg:$0x6]  }
0x1f: {  	s23 =	rddreg [dreg:$0x5];
	s1 =	sadd.s32 $0x1, s31  }
0x20: {  	p0 =	sne.s32 s1, s23  }
.Ltmp1:
0x21: {  	_ = 	snop;
	(pc) =	sbr.rel @!p0 .LBB2_5-.Ltmp1, $3  }
0x22: {  	_ =	sdelay $0x1  }
0x23: {  	[sflag:s22] =	ssyncset.done $0x0  }
0x24: {  	[sflag:s22] =	ssyncadd.s32 $0xFFFFC000  }
.LBB2_1:
0x25: {  	[dreg:$0x6] =	wrdreg s1  }
0x26: {  	s23 =	rddreg [dreg:$0x4]  }
0x27: {  	s24 =	simm.s32 $0x80;
	s25 =	simm.s32 $0x200;
	s31 =	simm.s32 $0x9  }
0x28: {  	[tilespmem:s3], [sflag:$0x9] =	stream.strided.gather [hbm4b:s23+s24], $0x200, s25, s24, $0x38;
	[tilespmem:$0x10200] =	vst v63  }
0x29: {  	_ =	swait.ge [sflag:s31], $0x200  }
0x2a: {  	[sflag:s31] =	ssyncset.done $0x0  }
0x2b: {  	[sflag:s31] =	ssyncadd.s32 $0xFFFFFE00  }
0x2c: {  	v2 =	vld.msk [tilespmem:$0x0], $0xff;
	_ =	sdelay $0x4  }
0x2d: {  	v3 =	vshll.u32 v2, $0x4  }
0x2e: {  	v2 =	vand.u32 $0x7, v2;
	v3 =	vand.u32 $0xFFFFFF80, v3  }
0x2f: {  	v2 =	vor.u32 v2, v3  }
0x30: {  	v2 =	vperm.xlane v2, v0;
	_ =	sdelay $0x1  }
0x31: {  	v2 =	vadd.s32 v1, v2;
	_ =	sdelay $0x4  }
0x32: {  	[tilespmem:s25], [sflag:$0x1] =	stream.indirect_vreg.gather [hbm4b:s2+s3], $0x80, v2, vm0, $0xb8;
	[tilespmem:$0x10200] =	vst v63  }
0x33: {  	s23 =	simm.s32 $0xA00  }
0x34: {  	[tilespmem:s23], [sflag:$0x1] =	stream.indirect_vreg.gather [hbm4b:s5+s3], $0x80, v2, vm0, $0xb8;
	[tilespmem:$0x10200] =	vst v63  }
0x35: {  	s24 =	simm.s32 $0x1200  }
0x36: {  	[tilespmem:s24], [sflag:$0x1] =	stream.indirect_vreg.gather [hbm4b:s6+s3], $0x80, v2, vm0, $0xb8;
	[tilespmem:$0x10200] =	vst v63  }
0x37: {  	s28 =	simm.s32 $0x1A00  }
0x38: {  	[tilespmem:s28], [sflag:$0x1] =	stream.indirect_vreg.gather [hbm4b:s7+s3], $0x80, v2, vm0, $0xb8;
	[tilespmem:$0x10200] =	vst v63  }
0x39: {  	s31 =	simm.s32 $0x2200  }
0x3a: {  	[tilespmem:s31], [sflag:$0x1] =	stream.indirect_vreg.gather [hbm4b:s8+s3], $0x80, v2, vm0, $0xb8;
	[tilespmem:$0x10200] =	vst v63  }
0x3b: {  	s23 =	simm.s32 $0x2A00  }
0x3c: {  	[tilespmem:s23], [sflag:$0x1] =	stream.indirect_vreg.gather [hbm4b:s9+s3], $0x80, v2, vm0, $0xb8;
	[tilespmem:$0x10200] =	vst v63  }
0x3d: {  	s24 =	simm.s32 $0x3200  }
0x3e: {  	[tilespmem:s24], [sflag:$0x1] =	stream.indirect_vreg.gather [hbm4b:s10+s3], $0x80, v2, vm0, $0xb8;
	[tilespmem:$0x10200] =	vst v63  }
0x3f: {  	s28 =	simm.s32 $0x3A00  }
0x40: {  	[tilespmem:s28], [sflag:$0x1] =	stream.indirect_vreg.gather [hbm4b:s11+s3], $0x80, v2, vm0, $0xb8;
	[tilespmem:$0x10200] =	vst v63  }
0x41: {  	v2 =	vld.msk [tilespmem:$0x8], $0xff;
	_ =	sdelay $0x4  }
0x42: {  	v3 =	vshll.u32 v2, $0x4  }
0x43: {  	v2 =	vand.u32 $0x7, v2;
	v3 =	vand.u32 $0xFFFFFF80, v3  }
0x44: {  	v2 =	vor.u32 v2, v3  }
0x45: {  	v2 =	vperm.xlane v2, v0;
	_ =	sdelay $0x1  }
0x46: {  	v2 =	vadd.s32 v1, v2;
	_ =	sdelay $0x3  }
0x47: {  	s31 =	simm.s32 $0x4200  }
0x48: {  	[tilespmem:s31], [sflag:$0x2] =	stream.indirect_vreg.gather [hbm4b:s2+s3], $0x80, v2, vm0, $0xb8;
	[tilespmem:$0x10200] =	vst v63  }
0x49: {  	s23 =	simm.s32 $0x4A00  }
0x4a: {  	[tilespmem:s23], [sflag:$0x2] =	stream.indirect_vreg.gather [hbm4b:s5+s3], $0x80, v2, vm0, $0xb8;
	[tilespmem:$0x10200] =	vst v63  }
0x4b: {  	s24 =	simm.s32 $0x5200  }
0x4c: {  	[tilespmem:s24], [sflag:$0x2] =	stream.indirect_vreg.gather [hbm4b:s6+s3], $0x80, v2, vm0, $0xb8;
	[tilespmem:$0x10200] =	vst v63  }
0x4d: {  	s28 =	simm.s32 $0x5A00  }
0x4e: {  	[tilespmem:s28], [sflag:$0x2] =	stream.indirect_vreg.gather [hbm4b:s7+s3], $0x80, v2, vm0, $0xb8;
	[tilespmem:$0x10200] =	vst v63  }
0x4f: {  	s31 =	simm.s32 $0x6200  }
0x50: {  	[tilespmem:s31], [sflag:$0x2] =	stream.indirect_vreg.gather [hbm4b:s8+s3], $0x80, v2, vm0, $0xb8;
	[tilespmem:$0x10200] =	vst v63  }
0x51: {  	s23 =	simm.s32 $0x6A00  }
0x52: {  	[tilespmem:s23], [sflag:$0x2] =	stream.indirect_vreg.gather [hbm4b:s9+s3], $0x80, v2, vm0, $0xb8;
	[tilespmem:$0x10200] =	vst v63  }
0x53: {  	s24 =	simm.s32 $0x7200  }
0x54: {  	[tilespmem:s24], [sflag:$0x2] =	stream.indirect_vreg.gather [hbm4b:s10+s3], $0x80, v2, vm0, $0xb8;
	[tilespmem:$0x10200] =	vst v63  }
0x55: {  	s28 =	simm.s32 $0x7A00  }
0x56: {  	[tilespmem:s28], [sflag:$0x2] =	stream.indirect_vreg.gather [hbm4b:s11+s3], $0x80, v2, vm0, $0xb8;
	[tilespmem:$0x10200] =	vst v63  }
0x57: {  	v2 =	vld.msk [tilespmem:$0x10], $0xff;
	_ =	sdelay $0x4  }
0x58: {  	v3 =	vshll.u32 v2, $0x4  }
0x59: {  	v2 =	vand.u32 $0x7, v2;
	v3 =	vand.u32 $0xFFFFFF80, v3  }
0x5a: {  	v2 =	vor.u32 v2, v3  }
0x5b: {  	v2 =	vperm.xlane v2, v0;
	_ =	sdelay $0x1  }
0x5c: {  	v2 =	vadd.s32 v1, v2;
	_ =	sdelay $0x4  }
0x5d: {  	[tilespmem:s19], [sflag:$0x3] =	stream.indirect_vreg.gather [hbm4b:s2+s3], $0x80, v2, vm0, $0xb8;
	[tilespmem:$0x10200] =	vst v63  }
0x5e: {  	s31 =	simm.s32 $0x8A00  }
0x5f: {  	[tilespmem:s31], [sflag:$0x3] =	stream.indirect_vreg.gather [hbm4b:s5+s3], $0x80, v2, vm0, $0xb8;
	[tilespmem:$0x10200] =	vst v63  }
0x60: {  	s23 =	simm.s32 $0x9200  }
0x61: {  	[tilespmem:s23], [sflag:$0x3] =	stream.indirect_vreg.gather [hbm4b:s6+s3], $0x80, v2, vm0, $0xb8;
	[tilespmem:$0x10200] =	vst v63  }
0x62: {  	s24 =	simm.s32 $0x9A00  }
0x63: {  	[tilespmem:s24], [sflag:$0x3] =	stream.indirect_vreg.gather [hbm4b:s7+s3], $0x80, v2, vm0, $0xb8;
	[tilespmem:$0x10200] =	vst v63  }
0x64: {  	s28 =	simm.s32 $0xA200  }
0x65: {  	[tilespmem:s28], [sflag:$0x3] =	stream.indirect_vreg.gather [hbm4b:s8+s3], $0x80, v2, vm0, $0xb8;
	[tilespmem:$0x10200] =	vst v63  }
0x66: {  	s31 =	simm.s32 $0xAA00  }
0x67: {  	[tilespmem:s31], [sflag:$0x3] =	stream.indirect_vreg.gather [hbm4b:s9+s3], $0x80, v2, vm0, $0xb8;
	[tilespmem:$0x10200] =	vst v63  }
0x68: {  	s23 =	simm.s32 $0xB200  }
0x69: {  	[tilespmem:s23], [sflag:$0x3] =	stream.indirect_vreg.gather [hbm4b:s10+s3], $0x80, v2, vm0, $0xb8;
	[tilespmem:$0x10200] =	vst v63  }
0x6a: {  	s24 =	simm.s32 $0xBA00  }
0x6b: {  	[tilespmem:s24], [sflag:$0x3] =	stream.indirect_vreg.gather [hbm4b:s11+s3], $0x80, v2, vm0, $0xb8;
	[tilespmem:$0x10200] =	vst v63  }
0x6c: {  	_ =	swait.ge [sflag:s29], $0x4000  }
0x6d: {  	[sflag:s29] =	ssyncset.done $0x0  }
0x6e: {  	[sflag:s29] =	ssyncadd.s32 $0xFFFFC000  }
0x6f: {  	[hbm4b:s12+s3] =	stream.linear.scatter [tilespmem:s25], [sflag:$0x5], $0x4000, $0x38;
	[tilespmem:$0x10200] =	vst v63  }
0x70: {  	v2 =	vld.msk [tilespmem:$0x18], $0xff;
	_ =	sdelay $0x4  }
0x71: {  	v3 =	vshll.u32 v2, $0x4  }
0x72: {  	v2 =	vand.u32 $0x7, v2;
	v3 =	vand.u32 $0xFFFFFF80, v3  }
0x73: {  	v2 =	vor.u32 v2, v3  }
0x74: {  	v2 =	vperm.xlane v2, v0;
	_ =	sdelay $0x1  }
0x75: {  	v2 =	vadd.s32 v1, v2;
	_ =	sdelay $0x4  }
0x76: {  	[tilespmem:s30], [sflag:$0x4] =	stream.indirect_vreg.gather [hbm4b:s2+s3], $0x80, v2, vm0, $0xb8;
	[tilespmem:$0x10200] =	vst v63  }
0x77: {  	s28 =	simm.s32 $0xCA00  }
0x78: {  	[tilespmem:s28], [sflag:$0x4] =	stream.indirect_vreg.gather [hbm4b:s5+s3], $0x80, v2, vm0, $0xb8;
	[tilespmem:$0x10200] =	vst v63  }
0x79: {  	s31 =	simm.s32 $0xD200  }
0x7a: {  	[tilespmem:s31], [sflag:$0x4] =	stream.indirect_vreg.gather [hbm4b:s6+s3], $0x80, v2, vm0, $0xb8;
	[tilespmem:$0x10200] =	vst v63  }
0x7b: {  	_ = 	snop  }
0x7c: {  	[tilespmem:s0], [sflag:$0x4] =	stream.indirect_vreg.gather [hbm4b:s7+s3], $0x80, v2, vm0, $0xb8;
	[tilespmem:$0x10200] =	vst v63  }
0x7d: {  	_ = 	snop  }
0x7e: {  	[tilespmem:s16], [sflag:$0x4] =	stream.indirect_vreg.gather [hbm4b:s8+s3], $0x80, v2, vm0, $0xb8;
	[tilespmem:$0x10200] =	vst v63  }
0x7f: {  	_ = 	snop  }
0x80: {  	[tilespmem:s4], [sflag:$0x4] =	stream.indirect_vreg.gather [hbm4b:s9+s3], $0x80, v2, vm0, $0xb8;
	[tilespmem:$0x10200] =	vst v63  }
0x81: {  	_ = 	snop  }
0x82: {  	[tilespmem:s13], [sflag:$0x4] =	stream.indirect_vreg.gather [hbm4b:s10+s3], $0x80, v2, vm0, $0xb8;
	[tilespmem:$0x10200] =	vst v63  }
0x83: {  	s1 =	simm.s32 $0x200;
	s23 =	simm.s32 $0x38;
	s24 =	simm.s32 $0x0  }
0x84: {  	[tilespmem:s18], [sflag:$0x4] =	stream.indirect_vreg.gather [hbm4b:s11+s3], $0x80, v2, vm0, $0xb8;
	[tilespmem:$0x10200] =	vst v63  }
.LBB2_2:
0x85: {  	_ =	swait.ge [sflag:s17], $0x4000  }
0x86: {  	s25 =	sadd.s32 s24, s12;
	s31 =	simm.s32 $0x4200;
	[sflag:s17] =	ssyncset.done $0x0  }
0x87: {  	p0 =	seq.s32 s24, $0x1E000;
	s28 =	sadd.s32 $0x800, s25;
	[sflag:s17] =	ssyncadd.s32 $0xFFFFC000  }
0x88: {  	[hbm4b:s28+s3] =	stream.linear.scatter [tilespmem:s31], [sflag:$0x6], $0x4000, $0x38;
	[tilespmem:$0x10200] =	vst v63  }
0x89: {  	s28 =	simm.s32 @!p0 $0x5  }
0x8a: {  	_ =	swait.ge @!p0 [sflag:s28], $0x4000  }
0x8b: {  	[sflag:s28] =	ssyncset.done @!p0 $0x0  }
0x8c: {  	[sflag:s28] =	ssyncadd.s32 @!p0 $0xFFFFC000  }
0x8d: {  	v2 =	vld.msk @!p0 [tilespmem:s23+$0xFFFFFFE8], $0xff;
	_ =	sdelay $0x4  }
0x8e: {  	v3 =	vshll.u32 @!p0 v2, $0x4  }
0x8f: {  	v4 =	vlaneseq.u32 @!p0;
	v2 =	vand.u32 @!p0 $0x7, v2;
	v3 =	vand.u32 @!p0 $0xFFFFFF80, v3  }
0x90: {  	v2 =	vor.u32 @!p0 v2, v3;
	v3 =	vand.u32 @!p0 $0x7, v4;
	v4 =	vshrl.u32 @!p0 v4, $0x3  }
0x91: {  	v2 =	vperm.xlane @!p0 v2, v3;
	v4 =	vmul.u32 @!p0 $0x8, v4;
	_ =	sdelay $0x1  }
0x92: {  	v2 =	vadd.s32 @!p0 v4, v2;
	_ =	sdelay $0x3  }
0x93: {  	vm1 =	vmmov @!p0 $0xffff;
	s31 =	simm.s32 @!p0 $0x200;
	s28 =	simm.s32 @!p0 $0x0  }
0x94: {  	[tilespmem:s31], [sflag:$0x1] =	stream.indirect_vreg.gather @!p0 [hbm4b:s2+s28], $0x80, v2, vm1, $0xb8;
	[tilespmem:$0x10200] =	vst v63  }
0x95: {  	s31 =	simm.s32 @!p0 $0xA00  }
0x96: {  	[tilespmem:s31], [sflag:$0x1] =	stream.indirect_vreg.gather @!p0 [hbm4b:s5+s28], $0x80, v2, vm1, $0xb8;
	[tilespmem:$0x10200] =	vst v63  }
0x97: {  	s31 =	simm.s32 @!p0 $0x1200  }
0x98: {  	[tilespmem:s31], [sflag:$0x1] =	stream.indirect_vreg.gather @!p0 [hbm4b:s6+s28], $0x80, v2, vm1, $0xb8;
	[tilespmem:$0x10200] =	vst v63  }
0x99: {  	s31 =	simm.s32 @!p0 $0x1A00  }
0x9a: {  	[tilespmem:s31], [sflag:$0x1] =	stream.indirect_vreg.gather @!p0 [hbm4b:s7+s28], $0x80, v2, vm1, $0xb8;
	[tilespmem:$0x10200] =	vst v63  }
0x9b: {  	s31 =	simm.s32 @!p0 $0x2200  }
0x9c: {  	[tilespmem:s31], [sflag:$0x1] =	stream.indirect_vreg.gather @!p0 [hbm4b:s8+s28], $0x80, v2, vm1, $0xb8;
	[tilespmem:$0x10200] =	vst v63  }
0x9d: {  	s31 =	simm.s32 @!p0 $0x2A00  }
0x9e: {  	[tilespmem:s31], [sflag:$0x1] =	stream.indirect_vreg.gather @!p0 [hbm4b:s9+s28], $0x80, v2, vm1, $0xb8;
	[tilespmem:$0x10200] =	vst v63  }
0x9f: {  	s31 =	simm.s32 @!p0 $0x3200  }
0xa0: {  	[tilespmem:s31], [sflag:$0x1] =	stream.indirect_vreg.gather @!p0 [hbm4b:s10+s28], $0x80, v2, vm1, $0xb8;
	[tilespmem:$0x10200] =	vst v63  }
0xa1: {  	s31 =	simm.s32 @!p0 $0x3A00  }
0xa2: {  	[tilespmem:s31], [sflag:$0x1] =	stream.indirect_vreg.gather @!p0 [hbm4b:s11+s28], $0x80, v2, vm1, $0xb8;
	[tilespmem:$0x10200] =	vst v63  }
0xa3: {  	_ =	swait.ge [sflag:s26], $0x4000  }
0xa4: {  	[sflag:s26] =	ssyncset.done $0x0  }
0xa5: {  	s31 =	sadd.s32 s24, s14;
	[sflag:s26] =	ssyncadd.s32 $0xFFFFC000  }
0xa6: {  	[hbm4b:s31+s3] =	stream.linear.scatter [tilespmem:s19], [sflag:$0x7], $0x4000, $0x38;
	[tilespmem:$0x10200] =	vst v63  }
0xa7: {  	s31 =	simm.s32 @!p0 $0x6  }
0xa8: {  	_ =	swait.ge @!p0 [sflag:s31], $0x4000  }
0xa9: {  	[sflag:s31] =	ssyncset.done @!p0 $0x0  }
0xaa: {  	[sflag:s31] =	ssyncadd.s32 @!p0 $0xFFFFC000  }
0xab: {  	v2 =	vld.msk @!p0 [tilespmem:s23+$0xFFFFFFF0], $0xff;
	_ =	sdelay $0x4  }
0xac: {  	v5 =	vshll.u32 @!p0 v2, $0x4  }
0xad: {  	v2 =	vand.u32 @!p0 $0x7, v2;
	v5 =	vand.u32 @!p0 $0xFFFFFF80, v5  }
0xae: {  	v2 =	vor.u32 @!p0 v2, v5  }
0xaf: {  	v2 =	vperm.xlane @!p0 v2, v3;
	_ =	sdelay $0x1  }
0xb0: {  	v2 =	vadd.s32 @!p0 v4, v2;
	_ =	sdelay $0x3  }
0xb1: {  	s31 =	simm.s32 @!p0 $0x4200  }
0xb2: {  	[tilespmem:s31], [sflag:$0x2] =	stream.indirect_vreg.gather @!p0 [hbm4b:s2+s28], $0x80, v2, vm1, $0xb8;
	[tilespmem:$0x10200] =	vst v63  }
0xb3: {  	s31 =	simm.s32 @!p0 $0x4A00  }
0xb4: {  	[tilespmem:s31], [sflag:$0x2] =	stream.indirect_vreg.gather @!p0 [hbm4b:s5+s28], $0x80, v2, vm1, $0xb8;
	[tilespmem:$0x10200] =	vst v63  }
0xb5: {  	s31 =	simm.s32 @!p0 $0x5200  }
0xb6: {  	[tilespmem:s31], [sflag:$0x2] =	stream.indirect_vreg.gather @!p0 [hbm4b:s6+s28], $0x80, v2, vm1, $0xb8;
	[tilespmem:$0x10200] =	vst v63  }
0xb7: {  	s31 =	simm.s32 @!p0 $0x5A00  }
0xb8: {  	[tilespmem:s31], [sflag:$0x2] =	stream.indirect_vreg.gather @!p0 [hbm4b:s7+s28], $0x80, v2, vm1, $0xb8;
	[tilespmem:$0x10200] =	vst v63  }
0xb9: {  	s31 =	simm.s32 @!p0 $0x6200  }
0xba: {  	[tilespmem:s31], [sflag:$0x2] =	stream.indirect_vreg.gather @!p0 [hbm4b:s8+s28], $0x80, v2, vm1, $0xb8;
	[tilespmem:$0x10200] =	vst v63  }
0xbb: {  	s31 =	simm.s32 @!p0 $0x6A00  }
0xbc: {  	[tilespmem:s31], [sflag:$0x2] =	stream.indirect_vreg.gather @!p0 [hbm4b:s9+s28], $0x80, v2, vm1, $0xb8;
	[tilespmem:$0x10200] =	vst v63  }
0xbd: {  	s31 =	simm.s32 @!p0 $0x7200  }
0xbe: {  	[tilespmem:s31], [sflag:$0x2] =	stream.indirect_vreg.gather @!p0 [hbm4b:s10+s28], $0x80, v2, vm1, $0xb8;
	[tilespmem:$0x10200] =	vst v63  }
0xbf: {  	s31 =	simm.s32 @!p0 $0x7A00  }
0xc0: {  	[tilespmem:s31], [sflag:$0x2] =	stream.indirect_vreg.gather @!p0 [hbm4b:s11+s28], $0x80, v2, vm1, $0xb8;
	[tilespmem:$0x10200] =	vst v63  }
.Ltmp2:
0xc1: {  	_ = 	snop;
	(pc) =	sbr.rel @p0 .LBB2_4-.Ltmp2, $4  }
0xc2: {  	_ =	swait.ge [sflag:s20], $0x4000  }
0xc3: {  	[sflag:s20] =	ssyncset.done $0x0  }
0xc4: {  	s25 =	sadd.s32 $0x1800, s25;
	[sflag:s20] =	ssyncadd.s32 $0xFFFFC000  }
0xc5: {  	[hbm4b:s25+s3] =	stream.linear.scatter [tilespmem:s30], [sflag:$0x8], $0x4000, $0x38;
	[tilespmem:$0x10200] =	vst v63  }
0xc6: {  	_ =	swait.ge [sflag:s21], $0x4000  }
0xc7: {  	[sflag:s21] =	ssyncset.done $0x0  }
0xc8: {  	[sflag:s21] =	ssyncadd.s32 $0xFFFFC000  }
0xc9: {  	v2 =	vld.msk [tilespmem:s23+$0xFFFFFFF8], $0xff;
	_ =	sdelay $0x4  }
0xca: {  	v3 =	vshll.u32 v2, $0x4  }
0xcb: {  	v2 =	vand.u32 $0x7, v2;
	v3 =	vand.u32 $0xFFFFFF80, v3  }
0xcc: {  	v2 =	vor.u32 v2, v3  }
0xcd: {  	v2 =	vperm.xlane v2, v0;
	_ =	sdelay $0x1  }
0xce: {  	v2 =	vadd.s32 v1, v2;
	_ =	sdelay $0x4  }
0xcf: {  	[tilespmem:s19], [sflag:$0x3] =	stream.indirect_vreg.gather [hbm4b:s2+s3], $0x80, v2, vm0, $0xb8;
	[tilespmem:$0x10200] =	vst v63  }
0xd0: {  	s25 =	simm.s32 $0x8A00  }
0xd1: {  	[tilespmem:s25], [sflag:$0x3] =	stream.indirect_vreg.gather [hbm4b:s5+s3], $0x80, v2, vm0, $0xb8;
	[tilespmem:$0x10200] =	vst v63  }
0xd2: {  	s31 =	simm.s32 $0x9200  }
0xd3: {  	[tilespmem:s31], [sflag:$0x3] =	stream.indirect_vreg.gather [hbm4b:s6+s3], $0x80, v2, vm0, $0xb8;
	[tilespmem:$0x10200] =	vst v63  }
0xd4: {  	s28 =	simm.s32 $0x9A00  }
0xd5: {  	[tilespmem:s28], [sflag:$0x3] =	stream.indirect_vreg.gather [hbm4b:s7+s3], $0x80, v2, vm0, $0xb8;
	[tilespmem:$0x10200] =	vst v63  }
0xd6: {  	s31 =	simm.s32 $0xA200  }
0xd7: {  	[tilespmem:s31], [sflag:$0x3] =	stream.indirect_vreg.gather [hbm4b:s8+s3], $0x80, v2, vm0, $0xb8;
	[tilespmem:$0x10200] =	vst v63  }
0xd8: {  	s28 =	simm.s32 $0xAA00  }
0xd9: {  	[tilespmem:s28], [sflag:$0x3] =	stream.indirect_vreg.gather [hbm4b:s9+s3], $0x80, v2, vm0, $0xb8;
	[tilespmem:$0x10200] =	vst v63  }
0xda: {  	s31 =	simm.s32 $0xB200  }
0xdb: {  	[tilespmem:s31], [sflag:$0x3] =	stream.indirect_vreg.gather [hbm4b:s10+s3], $0x80, v2, vm0, $0xb8;
	[tilespmem:$0x10200] =	vst v63  }
0xdc: {  	s28 =	simm.s32 $0xBA00  }
0xdd: {  	[tilespmem:s28], [sflag:$0x3] =	stream.indirect_vreg.gather [hbm4b:s11+s3], $0x80, v2, vm0, $0xb8;
	[tilespmem:$0x10200] =	vst v63  }
0xde: {  	_ =	swait.ge [sflag:s29], $0x4000  }
0xdf: {  	[sflag:s29] =	ssyncset.done $0x0  }
0xe0: {  	s31 =	sadd.s32 s24, s15;
	[sflag:s29] =	ssyncadd.s32 $0xFFFFC000  }
0xe1: {  	[hbm4b:s31+s3] =	stream.linear.scatter [tilespmem:s1], [sflag:$0x5], $0x4000, $0x38;
	[tilespmem:$0x10200] =	vst v63  }
0xe2: {  	_ =	swait.ge [sflag:s22], $0x4000  }
0xe3: {  	[sflag:s22] =	ssyncset.done $0x0  }
0xe4: {  	[sflag:s22] =	ssyncadd.s32 $0xFFFFC000  }
0xe5: {  	v2 =	vld.msk [tilespmem:s23+$0x0], $0xff;
	_ =	sdelay $0x4  }
0xe6: {  	v3 =	vshll.u32 v2, $0x4  }
0xe7: {  	v2 =	vand.u32 $0x7, v2;
	v3 =	vand.u32 $0xFFFFFF80, v3  }
0xe8: {  	v2 =	vor.u32 v2, v3  }
0xe9: {  	v2 =	vperm.xlane v2, v0;
	_ =	sdelay $0x1  }
0xea: {  	v2 =	vadd.s32 v1, v2;
	_ =	sdelay $0x4  }
0xeb: {  	[tilespmem:s30], [sflag:$0x4] =	stream.indirect_vreg.gather [hbm4b:s2+s3], $0x80, v2, vm0, $0xb8;
	[tilespmem:$0x10200] =	vst v63  }
0xec: {  	s28 =	simm.s32 $0xCA00  }
0xed: {  	[tilespmem:s28], [sflag:$0x4] =	stream.indirect_vreg.gather [hbm4b:s5+s3], $0x80, v2, vm0, $0xb8;
	[tilespmem:$0x10200] =	vst v63  }
0xee: {  	s31 =	simm.s32 $0xD200  }
0xef: {  	[tilespmem:s31], [sflag:$0x4] =	stream.indirect_vreg.gather [hbm4b:s6+s3], $0x80, v2, vm0, $0xb8;
	[tilespmem:$0x10200] =	vst v63  }
0xf0: {  	_ = 	snop  }
0xf1: {  	[tilespmem:s0], [sflag:$0x4] =	stream.indirect_vreg.gather [hbm4b:s7+s3], $0x80, v2, vm0, $0xb8;
	[tilespmem:$0x10200] =	vst v63  }
0xf2: {  	_ = 	snop  }
0xf3: {  	[tilespmem:s16], [sflag:$0x4] =	stream.indirect_vreg.gather [hbm4b:s8+s3], $0x80, v2, vm0, $0xb8;
	[tilespmem:$0x10200] =	vst v63  }
0xf4: {  	_ = 	snop  }
0xf5: {  	[tilespmem:s4], [sflag:$0x4] =	stream.indirect_vreg.gather [hbm4b:s9+s3], $0x80, v2, vm0, $0xb8;
	[tilespmem:$0x10200] =	vst v63  }
.Ltmp3:
0xf6: {  	_ = 	snop;
	(pc) =	sbr.rel .LBB2_2-.Ltmp3, $4  }
0xf7: {  	_ = 	snop  }
0xf8: {  	[tilespmem:s13], [sflag:$0x4] =	stream.indirect_vreg.gather [hbm4b:s10+s3], $0x80, v2, vm0, $0xb8;
	[tilespmem:$0x10200] =	vst v63  }
0xf9: {  	s24 =	sadd.s32 $0x2000, s24;
	s23 =	sadd.s32 $0x20, s23  }
0xfa: {  	[tilespmem:s18], [sflag:$0x4] =	stream.indirect_vreg.gather [hbm4b:s11+s3], $0x80, v2, vm0, $0xb8;
	[tilespmem:$0x10200] =	vst v63  }
.LBB2_5:
0xfb: {  	_ =	sfence.sel $0x180000  }
0xfc: {  	[bflag:$0x0] =	sbarrier.arrive $0xFFFF  }
0xfd: {  	_ =	strace $0x90000047  }
0xfe: {  	s0 =	stileid.u32;
	[bflag:$0x2] =	sbarrier.arrive $0xFFFF  }
0xff: {  	p0 =	sne.s32 s0, $0x0;
	s0 =	rddreg [dreg:$0x3]  }
0x100: {  	s0 =	sadd.s32 @!p0 $0x100000, s0  }
0x101: {  	[sflag:s0] =	ssyncadd.tile.s32 @!p0 $0x1;
	_ =	shalt  }
.Lfunc_end2:
_tile_overlayer_lowered:
.L_overlay_start_2:
0x102: {  	(tag) =	ssettag $0x2  }
0x103: {  	s0 =	rddreg [dreg:$0x0];
	s2 =	stileid.u32  }
0x104: {  	s1 =	rddreg [dreg:$0x1];
	p0 =	sne.s32 s2, $0x0  }
0x105: {  	s3 =	rddreg [dreg:$0x2];
	[bflag:$0x3] =	sbarrier.arrive $0xFFFF;
	s2 =	simm.s32 @!p0 $0x1C09  }
0x106: {  	[timem:s3], [sflag:s2] =	dma.local @!p0 [hbm:s0], s1  }
0x107: {  	s0 =	simm.s32 @!p0 $0x9  }
0x108: {  	_ =	swait.ge @!p0 [sflag:s0], s1  }
0x109: {  	s1 =	ssub.s32 @!p0 $0x0, s1;
	[sflag:s0] =	ssyncset.done @!p0 $0x0  }
0x10a: {  	[sflag:s0] =	ssyncadd.s32 @!p0 s1  }
0x10b: {  	[bflag:$0x3] =	sbarrier.arrive $0xFFFF  }
0x10c: {  	_ =	shalt  }

</sc_bundles>
